<compile_context>
chip_gen: v7x
topology: tpu7x:2x2x1
jax: 0.10.2.dev20260603
libtpu: 0.0.44.dev20260713+nightly
codegen_flags: <defaults>
</compile_context>

<pallas_src>
import functools

import jax
import jax.numpy as jnp
from jax import lax
from jax.experimental import pallas as pl
from jax.experimental.pallas import tpu as pltpu
from jax.experimental.pallas import tpu_sc as plsc

N_ = 128
C_ = 32
T_ = 512
V_ = 25
S_ = 8
HD_ = 8
K_SEL = 9
VP_ = 32
CV_ = C_ * V_
NEG = -1.0e30
ROWS = N_ * S_ * V_
NW = 32
RPW = ROWS // NW


def _block_diag(W, groups):
    Cout, Cin_g = W.shape
    Wg = W.reshape(groups, Cout // groups, Cin_g)
    eye = jnp.eye(groups, dtype=W.dtype)
    bd = eye[:, :, None, None] * Wg[:, None, :, :]
    bd = bd.transpose(0, 2, 1, 3)
    return bd.reshape(Cout, groups * Cin_g)


def _stage1_body(xq_ref, u2_ref, v1_ref, bdq_ref, bq_ref, bdk_ref, bk_ref,
                 bdw1_ref, bw1_ref, ww2_ref, bw2_ref, cg_ref, ah_ref, om_ref):
    xq = xq_ref[...][0]
    tx_col = jnp.sum(xq, axis=-1, keepdims=True) * (1.0 / T_)
    t_x = lax.dot_general(u2_ref[...], tx_col * v1_ref[...],
                          (((1,), (0,)), ((), ())))
    Q = lax.dot_general(bdq_ref[...], t_x, (((1,), (0,)), ((), ()))) \
        + bq_ref[...][0][:, None]
    K = lax.dot_general(bdk_ref[...], t_x, (((1,), (0,)), ((), ()))) \
        + bk_ref[...][0][:, None]
    Q4 = Q.reshape(S_, HD_, V_)
    K4 = K.reshape(S_, HD_, V_)
    A_h = lax.dot_general(Q4, K4, (((1,), (1,)), ((0,), (0,))))
    A_h = A_h * (HD_ ** -0.5)
    pad = jnp.full((S_, V_, VP_ - V_), NEG, jnp.float32)
    ah_ref[...] = jnp.concatenate([A_h, pad], axis=-1)[None]

    w_h = lax.dot_general(bdw1_ref[...], t_x, (((1,), (0,)), ((), ()))) \
        + bw1_ref[...][0][:, None]
    w_h = jnp.where(w_h >= 0, w_h, 0.01 * w_h)
    w_o = lax.dot_general(ww2_ref[...], w_h, (((1,), (0,)), ((), ()))) \
        + bw2_ref[...][0][:, None]
    W_raw = jnp.mean(jnp.tanh(w_o), axis=-1)
    logits = cg_ref[...][0] + W_raw
    m = jnp.max(logits)
    e = jnp.exp(logits - m)
    om_ref[...] = (e / jnp.sum(e))[None, None, :]


def _sc_topk_body(ah_hbm, out_hbm, buf_in, buf_out):
    wid = lax.axis_index("s") * 2 + lax.axis_index("c")
    base = wid * (RPW * VP_)
    pltpu.sync_copy(ah_hbm.at[pl.ds(base, RPW * VP_)], buf_in)
    iot = lax.iota(jnp.int32, 16)
    nine = jnp.full((16,), K_SEL, jnp.int32)

    def row(r, carry):
        off = r * VP_
        a0 = buf_in[pl.ds(off, 16)]
        a1 = buf_in[pl.ds(off + 16, 16)]
        s0a, _ = plsc.sort_key_val(a0, iot, descending=False)
        s1d, _ = plsc.sort_key_val(a1, iot, descending=True)
        top16 = jnp.maximum(s0a, s1d)
        hs, _ = plsc.sort_key_val(top16, iot, descending=True)
        t = jnp.max(jnp.where(iot == (K_SEL - 1), hs, jnp.float32(NEG)))
        mx = jnp.max(hs)
        gt0 = a0 > t
        gt1 = a1 > t
        c_gt = plsc.all_reduce_population_count(gt0) \
            + plsc.all_reduce_population_count(gt1)
        need = nine - c_gt
        eq0 = a0 == t
        eq1 = a1 == t
        cs0 = lax.cumsum(eq0.astype(jnp.int32))
        tot0 = plsc.all_reduce_population_count(eq0)
        cs1 = lax.cumsum(eq1.astype(jnp.int32)) + tot0
        sel0 = gt0 | (eq0 & (cs0 <= need))
        sel1 = gt1 | (eq1 & (cs1 <= need))
        e0 = jnp.where(sel0, jnp.exp(a0 - mx), 0.0)
        e1 = jnp.where(sel1, jnp.exp(a1 - mx), 0.0)
        tot = jnp.broadcast_to(jnp.sum(e0 + e1), (16,))
        buf_out[pl.ds(off, 16)] = e0 / tot
        buf_out[pl.ds(off + 16, 16)] = e1 / tot
        return carry

    lax.fori_loop(0, RPW, row, 0)
    pltpu.sync_copy(buf_out, out_hbm.at[pl.ds(base, RPW * VP_)])


NB3 = 4


def _stage3_body(xq_ref, hsp_ref, om_ref, ab_ref, al_ref, w2_ref, sb_ref,
                 sh_ref, u1_ref, u2_ref, v1_ref, v2_ref, i25_ref,
                 y_ref, af_ref):
    del i25_ref
    ab = ab_ref[...]
    alearn = ab / (jnp.sum(jnp.abs(ab), axis=-1, keepdims=True) + 1e-8)
    wd_exp = lax.dot_general(
        u1_ref[...],
        lax.dot_general(w2_ref[...], u2_ref[...], (((1,), (0,)), ((), ()))),
        (((1,), (0,)), ((), ())))
    sb_col = lax.dot_general(u1_ref[...], sb_ref[...], (((1,), (0,)), ((), ())))
    sh_col = lax.dot_general(u1_ref[...], sh_ref[...], (((1,), (0,)), ((), ())))
    for i in range(NB3):
        hsp = hsp_ref[...][i]
        om = om_ref[...][i, 0]
        hsem = jnp.sum(om[:, None, None] * hsp, axis=0)
        asem = hsem / (jnp.sum(jnp.abs(hsem), axis=-1, keepdims=True) + 1e-8)
        af = alearn + jnp.maximum(al_ref[0, 0], 0.0) * asem
        af_ref[i] = af
        afs = af[:, :V_]

        af_exp = lax.dot_general(
            v1_ref[...],
            lax.dot_general(afs, v2_ref[...], (((1,), (0,)), ((), ()))),
            (((1,), (0,)), ((), ())))
        g = af_exp * wd_exp

        xq = xq_ref[...][i]
        y0 = lax.dot_general(g, xq, (((1,), (0,)), ((), ())))

        rsu = jnp.sum(afs, axis=1, keepdims=True)
        rs_col = lax.dot_general(v1_ref[...], rsu, (((1,), (0,)), ((), ())))
        const_col = sb_col * rs_col + sh_col
        y_ref[i] = jnp.maximum(y0 + const_col + xq, 0.0)


def _make_sc_kernel():
    mesh = plsc.VectorSubcoreMesh(core_axis_name="c", subcore_axis_name="s")
    return pl.kernel(
        _sc_topk_body,
        mesh=mesh,
        out_type=jax.ShapeDtypeStruct((ROWS * VP_,), jnp.float32),
        scratch_types=[
            pltpu.VMEM((RPW * VP_,), jnp.float32),
            pltpu.VMEM((RPW * VP_,), jnp.float32),
        ],
        compiler_params=pltpu.CompilerParams(needs_layout_passes=False),
    )


def kernel(x, PA, edge_importance, Wq, bq, Wk, bk, Ww1, bw1, Ww2, bw2,
           conf_gate, alpha, Wd, bd, bn_gamma, bn_beta, bn_mean, bn_var):
    f32 = jnp.float32
    bdq = _block_diag(Wq, S_)
    bdk = _block_diag(Wk, S_)
    bdw1 = _block_diag(Ww1, S_)
    cg = conf_gate.reshape(1, S_)

    xq = x.transpose(0, 1, 3, 2).reshape(N_, CV_, T_)

    u1 = jnp.repeat(jnp.eye(C_, dtype=f32), V_, axis=0)
    u2 = jnp.repeat(jnp.eye(C_, dtype=f32), V_, axis=1)
    v1 = jnp.tile(jnp.eye(V_, dtype=f32), (C_, 1))
    v2 = jnp.tile(jnp.eye(V_, dtype=f32), (1, C_))

    ah_pad, omega = pl.pallas_call(
        _stage1_body,
        grid=(N_,),
        in_specs=[
            pl.BlockSpec((1, CV_, T_), lambda i: (i, 0, 0)),
            pl.BlockSpec((C_, CV_), lambda i: (0, 0)),
            pl.BlockSpec((CV_, V_), lambda i: (0, 0)),
            pl.BlockSpec((S_ * HD_, C_), lambda i: (0, 0)),
            pl.BlockSpec((1, S_ * HD_), lambda i: (0, 0)),
            pl.BlockSpec((S_ * HD_, C_), lambda i: (0, 0)),
            pl.BlockSpec((1, S_ * HD_), lambda i: (0, 0)),
            pl.BlockSpec((S_ * HD_, C_), lambda i: (0, 0)),
            pl.BlockSpec((1, S_ * HD_), lambda i: (0, 0)),
            pl.BlockSpec((S_, S_ * HD_), lambda i: (0, 0)),
            pl.BlockSpec((1, S_), lambda i: (0, 0)),
            pl.BlockSpec((1, S_), lambda i: (0, 0)),
        ],
        out_specs=[
            pl.BlockSpec((1, S_, V_, VP_), lambda i: (i, 0, 0, 0)),
            pl.BlockSpec((1, 1, S_), lambda i: (i, 0, 0)),
        ],
        out_shape=[
            jax.ShapeDtypeStruct((N_, S_, V_, VP_), f32),
            jax.ShapeDtypeStruct((N_, 1, S_), f32),
        ],
    )(xq, u2, v1, bdq, bq.reshape(1, -1), bdk, bk.reshape(1, -1),
      bdw1, bw1.reshape(1, -1), Ww2, bw2.reshape(1, -1), cg)

    hsp_flat = _make_sc_kernel()(ah_pad.reshape(-1))
    hsp = hsp_flat.reshape(N_, S_, V_, VP_)

    ab = (edge_importance * PA).reshape(V_, V_)
    ab_pad = jnp.concatenate(
        [ab, jnp.zeros((V_, VP_ - V_), f32)], axis=-1)
    scale = bn_gamma / jnp.sqrt(bn_var + 1e-5)
    shift = bn_beta - bn_mean * scale
    w2 = Wd * scale[:, None]
    sb = (scale * bd).reshape(C_, 1)
    sh = shift.reshape(C_, 1)

    y_q, af_pad = pl.pallas_call(
        _stage3_body,
        grid=(N_ // NB3,),
        in_specs=[
            pl.BlockSpec((NB3, CV_, T_), lambda i: (i, 0, 0)),
            pl.BlockSpec((NB3, S_, V_, VP_), lambda i: (i, 0, 0, 0)),
            pl.BlockSpec((NB3, 1, S_), lambda i: (i, 0, 0)),
            pl.BlockSpec((V_, VP_), lambda i: (0, 0)),
            pl.BlockSpec((1, 1), lambda i: (0, 0)),
            pl.BlockSpec((C_, C_), lambda i: (0, 0)),
            pl.BlockSpec((C_, 1), lambda i: (0, 0)),
            pl.BlockSpec((C_, 1), lambda i: (0, 0)),
            pl.BlockSpec((CV_, C_), lambda i: (0, 0)),
            pl.BlockSpec((C_, CV_), lambda i: (0, 0)),
            pl.BlockSpec((CV_, V_), lambda i: (0, 0)),
            pl.BlockSpec((V_, CV_), lambda i: (0, 0)),
            pl.BlockSpec((V_, V_), lambda i: (0, 0)),
        ],
        out_specs=[
            pl.BlockSpec((NB3, CV_, T_), lambda i: (i, 0, 0)),
            pl.BlockSpec((NB3, V_, VP_), lambda i: (i, 0, 0)),
        ],
        out_shape=[
            jax.ShapeDtypeStruct((N_, CV_, T_), f32),
            jax.ShapeDtypeStruct((N_, V_, VP_), f32),
        ],
    )(xq, hsp, omega, ab_pad, alpha.reshape(1, 1), w2, sb, sh, u1, u2, v1, v2,
      jnp.eye(V_, dtype=f32))

    y = y_q.reshape(N_, C_, V_, T_).transpose(0, 1, 3, 2)
    return (y, af_pad[:, :, :V_])

# --- scband reference (transcript-rebuilt; emitter-appended) ---
"""Pipeline reference for scband-hypergc-63788854280912 (READ-ONLY COPY).

The authoritative reference and input builder live on the scoring server;
editing this copy changes nothing except your own understanding.
"""

import jax, jax.numpy as jnp
import numpy as np

N_ = 128; C_ = 32; T_ = 512; V_ = 25; S_ = 8; HD_ = 8; K_SEL = 9

def a_norm(A):
    return A / (jnp.sum(jnp.abs(A), axis=-1, keepdims=True) + 1e-8)

def grouped_conv1(x, W, b, groups):
    # x: [N, Cin, V], W: [Cout, Cin//groups], b: [Cout] ; kernel-size-1 grouped Conv1d
    N, Cin, V = x.shape
    Cout = W.shape[0]
    xg = x.reshape(N, groups, Cin // groups, V)
    Wg = W.reshape(groups, Cout // groups, Cin // groups)
    y = jnp.einsum('ngiv,goi->ngov', xg, Wg).reshape(N, Cout, V)
    return y + b[None, :, None]

def setup_inputs(seed: int = 0):
    key = jax.random.key(seed)
    ks = jax.random.split(key, 6)
    x = jax.random.normal(ks[0], (N_, C_, T_, V_), dtype=jnp.float32)
    PA = jnp.ones((V_ * V_,), jnp.float32)
    edge_importance = jnp.ones((V_ * V_,), jnp.float32)
    Wq = jax.random.normal(ks[1], (S_ * HD_, C_ // S_), jnp.float32) * 0.5
    bq = jnp.zeros((S_ * HD_,), jnp.float32)
    Wk = jax.random.normal(ks[2], (S_ * HD_, C_ // S_), jnp.float32) * 0.5
    bk = jnp.zeros((S_ * HD_,), jnp.float32)
    Ww1 = jax.random.normal(ks[3], (S_ * HD_, C_ // S_), jnp.float32) * 0.5
    bw1 = jnp.zeros((S_ * HD_,), jnp.float32)
    Ww2 = jax.random.normal(ks[4], (S_, S_ * HD_), jnp.float32) * 0.2
    bw2 = jnp.zeros((S_,), jnp.float32)
    conf_gate = jnp.ones((1, S_, 1, 1), jnp.float32)
    alpha = jnp.ones((1,), jnp.float32)
    Wd = jax.random.normal(ks[5], (C_, C_), jnp.float32) * (2.0 / C_) ** 0.5
    bd = jnp.zeros((C_,), jnp.float32)
    bn_gamma = jnp.full((C_,), 1e-6, jnp.float32)
    bn_beta = jnp.zeros((C_,), jnp.float32)
    bn_mean = jnp.zeros((C_,), jnp.float32)
    bn_var = jnp.ones((C_,), jnp.float32)
    return {'x': x, 'PA': PA, 'edge_importance': edge_importance, 'Wq': Wq, 'bq': bq, 'Wk': Wk, 'bk': bk, 'Ww1': Ww1, 'bw1': bw1, 'Ww2': Ww2, 'bw2': bw2, 'conf_gate': conf_gate, 'alpha': alpha, 'Wd': Wd, 'bd': bd, 'bn_gamma': bn_gamma, 'bn_beta': bn_beta, 'bn_mean': bn_mean, 'bn_var': bn_var}

def reference(x, PA, edge_importance, Wq, bq, Wk, bk, Ww1, bw1, Ww2, bw2, conf_gate, alpha, Wd, bd, bn_gamma, bn_beta, bn_mean, bn_var):
    N, C, T, V = x.shape
    A_base = (edge_importance * PA).reshape(V, V)
    A_learn = a_norm(jnp.broadcast_to(A_base[None, :, :], (N, V, V)))
    t_x = jnp.mean(x, axis=2)  # [N, C, V]
    Q = grouped_conv1(t_x, Wq, bq, S_).reshape(N, S_, HD_, V).transpose(0, 1, 3, 2)
    K = grouped_conv1(t_x, Wk, bk, S_).reshape(N, S_, HD_, V).transpose(0, 1, 3, 2)
    A_h = jnp.einsum('nsvd,nsud->nsvu', Q, K) * (HD_ ** -0.5)
    topk_v, topk_idx = jax.lax.top_k(A_h, K_SEL)
    H_mask = jnp.sum(jax.nn.one_hot(topk_idx, V, dtype=A_h.dtype), axis=-2)
    H_masked = jnp.where(H_mask == 0, -jnp.inf, A_h)
    H_h_sparse = jax.nn.softmax(H_masked, axis=-1)
    H_h_sparse = jnp.where(H_mask == 0, 0.0, H_h_sparse)
    w_h = jax.nn.leaky_relu(grouped_conv1(t_x, Ww1, bw1, S_), 0.01)
    w_o = jnp.einsum('ncv,oc->nov', w_h, Ww2) + bw2[None, :, None]
    W_raw = jnp.mean(jnp.tanh(w_o), axis=-1)[:, :, None, None]
    omega_h = jax.nn.softmax(conf_gate + W_raw, axis=1)
    H_sem = jnp.sum(H_h_sparse * omega_h, axis=1)
    A_sem = a_norm(H_sem)
    A_fused = A_learn + jax.nn.relu(alpha) * A_sem
    d_x = jnp.einsum('nctv,oc->notv', x, Wd) + bd[None, :, None, None]
    d_flat = jnp.transpose(d_x, (0, 2, 1, 3))  # [N, T, C, V]
    y = jnp.einsum('ntcv,nuv->ntcu', d_flat, A_fused)
    y = jnp.transpose(y, (0, 2, 1, 3))  # [N, C, T, V]
    y = (y - bn_mean[None, :, None, None]) / jnp.sqrt(bn_var[None, :, None, None] + 1e-5) * bn_gamma[None, :, None, None] + bn_beta[None, :, None, None]
    y = jax.nn.relu(y + x)
    return (y, A_fused)

if __name__ == "__main__":
    import jax
    _d = setup_inputs()
    print(jax.jit(kernel)(*tuple(_d.values())))

</pallas_src>

<mosaic_0001>
#map = affine_map<(d0, d1) -> (0)>
module attributes {stable_mosaic.version = 14 : i64} {
  func.func @_sc_topk_body(%arg0: i32, %arg1: i32, %arg2: memref<819200xf32, #tpu.memory_space<hbm>>, %arg3: memref<819200xf32, #tpu.memory_space<hbm>>, %arg4: memref<25600xf32, #tpu.memory_space<vmem>>, %arg5: memref<25600xf32, #tpu.memory_space<vmem>>) attributes {dimension_semantics = [#tpu.dimension_semantics<core_parallel>, #tpu.dimension_semantics<subcore_parallel>], iteration_bounds = array<i64: 2, 16>, scalar_prefetch = 0 : i64, scratch_operands = 2 : i64, tpu.core_type = #tpu.core_type<sc_vector_subcore>, window_params = [{transform_indices = #map}, {transform_indices = #map}]} {
    %mul3A = arith.constant 2 : i32
    %mul3A_0 = arith.muli %arg1, %mul3A : i32
    %add3A = arith.addi %mul3A_0, %arg0 : i32
    %mul3A_1 = arith.constant 25600 : i32
    %mul3A_2 = arith.muli %add3A, %mul3A_1 : i32
    "tpu.region"() ({
      %run_scoped3A = tpu.sem_alloc : memref<!tpu.dma_semaphore, #tpu.memory_space<semaphore_mem>>
      %dma_start3A = tpu.memref_slice %arg2[%mul3A_2] : memref<819200xf32, #tpu.memory_space<hbm>> -> memref<25600xf32, #tpu.memory_space<hbm>>
      %dma_start3A_9 = tpu.memref_slice %arg2[%mul3A_2] : memref<819200xf32, #tpu.memory_space<hbm>> -> memref<25600xf32, #tpu.memory_space<hbm>>
      tpu.enqueue_dma source(%dma_start3A_9 : memref<25600xf32, #tpu.memory_space<hbm>>) target(%arg4 : memref<25600xf32, #tpu.memory_space<vmem>>) target_semaphore(%run_scoped3A : memref<!tpu.dma_semaphore, #tpu.memory_space<semaphore_mem>>)
      %dma_wait3A = tpu.memref_slice %arg2[%mul3A_2] : memref<819200xf32, #tpu.memory_space<hbm>> -> memref<25600xf32, #tpu.memory_space<hbm>>
      %dma_wait3A_10 = tpu.memref_slice %arg2[%mul3A_2] : memref<819200xf32, #tpu.memory_space<hbm>> -> memref<25600xf32, #tpu.memory_space<hbm>>
      tpu.wait_dma2 semaphore(%run_scoped3A : memref<!tpu.dma_semaphore, #tpu.memory_space<semaphore_mem>>) src(%dma_wait3A_10 : memref<25600xf32, #tpu.memory_space<hbm>>) dst(%arg4 : memref<25600xf32, #tpu.memory_space<vmem>>)
      tpu.yield
    }) : () -> ()
    %iota3A = tpu.iota {dimensions = array<i32: 0>} : vector<16xi32>
    %broadcast_in_dim3A = arith.constant 9 : i32
    %broadcast_in_dim3A_3 = vector.broadcast %broadcast_in_dim3A : i32 to vector<16xi32>
    %scan3A = arith.constant 0 : i32
    %scan3A_4 = arith.constant 0 : i32
    %scan3A_5 = arith.constant 800 : i32
    %scan3A_6 = arith.addi %scan3A_4, %scan3A_5 : i32
    %scan3A_7 = arith.constant 1 : i32
    scf.for %scan3A_9 = %scan3A_4 to %scan3A_6 step %scan3A_7  : i32 {
      %mul3A_10 = arith.constant 32 : i32
      %mul3A_11 = arith.muli %scan3A_9, %mul3A_10 : i32
      %get3A = arith.index_cast %mul3A_11 : i32 to index
      %get3A_12 = tpu.vector_load %arg4[%get3A] {strides = array<i32>} : memref<25600xf32, #tpu.memory_space<vmem>>, vector<16xf32>,
      %add3A_13 = arith.constant 16 : i32
      %add3A_14 = arith.addi %mul3A_11, %add3A_13 : i32
      %get3A_15 = arith.index_cast %add3A_14 : i32 to index
      %get3A_16 = tpu.vector_load %arg4[%get3A_15] {strides = array<i32>} : memref<25600xf32, #tpu.memory_space<vmem>>, vector<16xf32>,
      %masked_sort3A = arith.constant dense<true> : vector<16xi1>
      %masked_sort3A_17, %masked_sort3A_18, %masked_sort3A_19 = tpu.sort %get3A_12, %iota3A masked %masked_sort3A : (vector<16xf32>, vector<16xi32>, vector<16xi1>) -> (vector<16xi1>, vector<16xf32>, vector<16xi32>)
      %masked_sort3A_20 = arith.constant dense<true> : vector<16xi1>
      %masked_sort3A_21, %masked_sort3A_22, %masked_sort3A_23 = tpu.sort %get3A_16, %iota3A masked %masked_sort3A_20 {descending = true} : (vector<16xf32>, vector<16xi32>, vector<16xi1>) -> (vector<16xi1>, vector<16xf32>, vector<16xi32>)
      %max3A = arith.maximumf %masked_sort3A_18, %masked_sort3A_22 : vector<16xf32>
      %masked_sort3A_24 = arith.constant dense<true> : vector<16xi1>
      %masked_sort3A_25, %masked_sort3A_26, %masked_sort3A_27 = tpu.sort %max3A, %iota3A masked %masked_sort3A_24 {descending = true} : (vector<16xf32>, vector<16xi32>, vector<16xi1>) -> (vector<16xi1>, vector<16xf32>, vector<16xi32>)
      %eq3A = arith.constant 8 : i32
      %eq3A_28 = vector.broadcast %eq3A : i32 to vector<16xi32>
      %eq3A_29 = arith.cmpi eq, %iota3A, %eq3A_28 : vector<16xi32>
      %jit3A = arith.constant -1.000000e+30 : f32
      %broadcast_in_dim3A_30 = vector.broadcast %jit3A : f32 to vector<16xf32>
      %select_n3A = arith.select %eq3A_29, %masked_sort3A_26, %broadcast_in_dim3A_30 : vector<16xi1>, vector<16xf32>
      %reduce_max3A = arith.constant true
      %reduce_max3A_31 = vector.broadcast %reduce_max3A : i1 to vector<16xi1>
      %reduce_max3A_32 = tpu.scan <max>, %select_n3A masked %reduce_max3A_31 : vector<16xf32>, vector<16xi1> -> vector<16xf32>
      %reduce_max3A_33 = vector.extract %reduce_max3A_32[15] : f32 from vector<16xf32>
      %reduce_max3A_34 = arith.constant true
      %reduce_max3A_35 = vector.broadcast %reduce_max3A_34 : i1 to vector<16xi1>
      %reduce_max3A_36 = tpu.scan <max>, %masked_sort3A_26 masked %reduce_max3A_35 : vector<16xf32>, vector<16xi1> -> vector<16xf32>
      %reduce_max3A_37 = vector.extract %reduce_max3A_36[15] : f32 from vector<16xf32>
      %gt3A = vector.broadcast %reduce_max3A_33 : f32 to vector<16xf32>
      %gt3A_38 = arith.cmpf ogt, %get3A_12, %gt3A : vector<16xf32>
      %gt3A_39 = vector.broadcast %reduce_max3A_33 : f32 to vector<16xf32>
      %gt3A_40 = arith.cmpf ogt, %get3A_16, %gt3A_39 : vector<16xf32>
      %all_reduce_population_count3A = tpu.all_reduce %gt3A_38 {dim = 0 : i64, kind = #tpu.reduction_kind<sum>} : vector<16xi1> -> vector<16xi32>
      %all_reduce_population_count3A_41 = tpu.all_reduce %gt3A_40 {dim = 0 : i64, kind = #tpu.reduction_kind<sum>} : vector<16xi1> -> vector<16xi32>
      %add3A_42 = arith.addi %all_reduce_population_count3A, %all_reduce_population_count3A_41 : vector<16xi32>
      %sub3A = arith.subi %broadcast_in_dim3A_3, %add3A_42 : vector<16xi32>
      %eq3A_43 = vector.broadcast %reduce_max3A_33 : f32 to vector<16xf32>
      %eq3A_44 = arith.cmpf oeq, %get3A_12, %eq3A_43 : vector<16xf32>
      %eq3A_45 = vector.broadcast %reduce_max3A_33 : f32 to vector<16xf32>
      %eq3A_46 = arith.cmpf oeq, %get3A_16, %eq3A_45 : vector<16xf32>
      %convert_element_type3A = arith.extui %eq3A_44 : vector<16xi1> to vector<16xi32>
      %cumsum3A = arith.constant true
      %cumsum3A_47 = vector.broadcast %cumsum3A : i1 to vector<16xi1>
      %cumsum3A_48 = tpu.scan <sum>, %convert_element_type3A masked %cumsum3A_47 : vector<16xi32>, vector<16xi1> -> vector<16xi32>
      %all_reduce_population_count3A_49 = tpu.all_reduce %eq3A_44 {dim = 0 : i64, kind = #tpu.reduction_kind<sum>} : vector<16xi1> -> vector<16xi32>
      %convert_element_type3A_50 = arith.extui %eq3A_46 : vector<16xi1> to vector<16xi32>
      %cumsum3A_51 = arith.constant true
      %cumsum3A_52 = vector.broadcast %cumsum3A_51 : i1 to vector<16xi1>
      %cumsum3A_53 = tpu.scan <sum>, %convert_element_type3A_50 masked %cumsum3A_52 : vector<16xi32>, vector<16xi1> -> vector<16xi32>
      %add3A_54 = arith.addi %cumsum3A_53, %all_reduce_population_count3A_49 : vector<16xi32>
      %le3A = arith.cmpi sle, %cumsum3A_48, %sub3A : vector<16xi32>
      %and3A = arith.andi %eq3A_44, %le3A : vector<16xi1>
      %or3A = arith.ori %gt3A_38, %and3A : vector<16xi1>
      %le3A_55 = arith.cmpi sle, %add3A_54, %sub3A : vector<16xi32>
      %and3A_56 = arith.andi %eq3A_46, %le3A_55 : vector<16xi1>
      %or3A_57 = arith.ori %gt3A_40, %and3A_56 : vector<16xi1>
      %sub3A_58 = vector.broadcast %reduce_max3A_37 : f32 to vector<16xf32>
      %sub3A_59 = arith.subf %get3A_12, %sub3A_58 : vector<16xf32>
      %exp3A = math.exp %sub3A_59 : vector<16xf32>
      %jit3A_60 = arith.constant 0.000000e+00 : f32
      %broadcast_in_dim3A_61 = vector.broadcast %jit3A_60 : f32 to vector<16xf32>
      %select_n3A_62 = arith.select %or3A, %exp3A, %broadcast_in_dim3A_61 : vector<16xi1>, vector<16xf32>
      %sub3A_63 = vector.broadcast %reduce_max3A_37 : f32 to vector<16xf32>
      %sub3A_64 = arith.subf %get3A_16, %sub3A_63 : vector<16xf32>
      %exp3A_65 = math.exp %sub3A_64 : vector<16xf32>
      %jit3A_66 = arith.constant 0.000000e+00 : f32
      %broadcast_in_dim3A_67 = vector.broadcast %jit3A_66 : f32 to vector<16xf32>
      %select_n3A_68 = arith.select %or3A_57, %exp3A_65, %broadcast_in_dim3A_67 : vector<16xi1>, vector<16xf32>
      %add3A_69 = arith.addf %select_n3A_62, %select_n3A_68 : vector<16xf32>
      %reduce_sum3A = arith.constant true
      %reduce_sum3A_70 = vector.broadcast %reduce_sum3A : i1 to vector<16xi1>
      %reduce_sum3A_71 = tpu.scan <sum>, %add3A_69 masked %reduce_sum3A_70 : vector<16xf32>, vector<16xi1> -> vector<16xf32>
      %reduce_sum3A_72 = vector.extract %reduce_sum3A_71[15] : f32 from vector<16xf32>
      %broadcast_in_dim3A_73 = vector.broadcast %reduce_sum3A_72 : f32 to vector<16xf32>
      %div3A = arith.divf %select_n3A_62, %broadcast_in_dim3A_73 : vector<16xf32>
      %swap3A = arith.index_cast %mul3A_11 : i32 to index
      %swap3A_74 = tpu.vector_load %arg5[%swap3A] {strides = array<i32>} : memref<25600xf32, #tpu.memory_space<vmem>>, vector<16xf32>,
      tpu.vector_store %arg5[%swap3A], %div3A {strides = array<i32>} : memref<25600xf32, #tpu.memory_space<vmem>>, vector<16xf32>,
      %div3A_75 = arith.divf %select_n3A_68, %broadcast_in_dim3A_73 : vector<16xf32>
      %add3A_76 = arith.constant 16 : i32
      %add3A_77 = arith.addi %mul3A_11, %add3A_76 : i32
      %swap3A_78 = arith.index_cast %add3A_77 : i32 to index
      %swap3A_79 = tpu.vector_load %arg5[%swap3A_78] {strides = array<i32>} : memref<25600xf32, #tpu.memory_space<vmem>>, vector<16xf32>,
      tpu.vector_store %arg5[%swap3A_78], %div3A_75 {strides = array<i32>} : memref<25600xf32, #tpu.memory_space<vmem>>, vector<16xf32>,
    }
    %scan3A_8 = arith.constant 800 : i32
    "tpu.region"() ({
      %run_scoped3A = tpu.sem_alloc : memref<!tpu.dma_semaphore, #tpu.memory_space<semaphore_mem>>
      %dma_start3A = tpu.memref_slice %arg3[%mul3A_2] : memref<819200xf32, #tpu.memory_space<hbm>> -> memref<25600xf32, #tpu.memory_space<hbm>>
      %dma_start3A_9 = tpu.memref_slice %arg3[%mul3A_2] : memref<819200xf32, #tpu.memory_space<hbm>> -> memref<25600xf32, #tpu.memory_space<hbm>>
      tpu.enqueue_dma source(%arg5 : memref<25600xf32, #tpu.memory_space<vmem>>) target(%dma_start3A_9 : memref<25600xf32, #tpu.memory_space<hbm>>) target_semaphore(%run_scoped3A : memref<!tpu.dma_semaphore, #tpu.memory_space<semaphore_mem>>)
      %dma_wait3A = tpu.memref_slice %arg3[%mul3A_2] : memref<819200xf32, #tpu.memory_space<hbm>> -> memref<25600xf32, #tpu.memory_space<hbm>>
      %dma_wait3A_10 = tpu.memref_slice %arg3[%mul3A_2] : memref<819200xf32, #tpu.memory_space<hbm>> -> memref<25600xf32, #tpu.memory_space<hbm>>
      tpu.wait_dma2 semaphore(%run_scoped3A : memref<!tpu.dma_semaphore, #tpu.memory_space<semaphore_mem>>) src(%arg5 : memref<25600xf32, #tpu.memory_space<vmem>>) dst(%dma_wait3A_10 : memref<25600xf32, #tpu.memory_space<hbm>>)
      tpu.yield
    }) : () -> ()
    return
  }
}

module attributes {stable_mosaic.version = 14 : i64} {
  func.func @_stage1_body(%arg0: i32, %arg1: memref<1x800x512xf32, #tpu.memory_space<vmem>>, %arg2: memref<32x800xf32, #tpu.memory_space<vmem>>, %arg3: memref<800x25xf32, #tpu.memory_space<vmem>>, %arg4: memref<64x32xf32, #tpu.memory_space<vmem>>, %arg5: memref<1x64xf32, #tpu.memory_space<vmem>>, %arg6: memref<64x32xf32, #tpu.memory_space<vmem>>, %arg7: memref<1x64xf32, #tpu.memory_space<vmem>>, %arg8: memref<64x32xf32, #tpu.memory_space<vmem>>, %arg9: memref<1x64xf32, #tpu.memory_space<vmem>>, %arg10: memref<8x64xf32, #tpu.memory_space<vmem>>, %arg11: memref<1x8xf32, #tpu.memory_space<vmem>>, %arg12: memref<1x8xf32, #tpu.memory_space<vmem>>, %arg13: memref<1x8x25x32xf32, #tpu.memory_space<vmem>>, %arg14: memref<1x1x8xf32, #tpu.memory_space<vmem>>) attributes {dimension_semantics = [#tpu.dimension_semantics<arbitrary>], iteration_bounds = array<i64: 128>, scalar_prefetch = 0 : i64, scratch_operands = 0 : i64, tpu.core_type = #tpu.core_type<tc>, window_params = [{transform_indices = @transform_0, window_bounds = array<i64: 1, 800, 512>}, {pipeline_mode = #tpu.pipeline_mode<synchronous>, transform_indices = @transform_1, window_bounds = array<i64: 32, 800>}, {pipeline_mode = #tpu.pipeline_mode<synchronous>, transform_indices = @transform_2, window_bounds = array<i64: 800, 25>}, {pipeline_mode = #tpu.pipeline_mode<synchronous>, transform_indices = @transform_3, window_bounds = array<i64: 64, 32>}, {pipeline_mode = #tpu.pipeline_mode<synchronous>, transform_indices = @transform_4, window_bounds = array<i64: 1, 64>}, {pipeline_mode = #tpu.pipeline_mode<synchronous>, transform_indices = @transform_5, window_bounds = array<i64: 64, 32>}, {pipeline_mode = #tpu.pipeline_mode<synchronous>, transform_indices = @transform_6, window_bounds = array<i64: 1, 64>}, {pipeline_mode = #tpu.pipeline_mode<synchronous>, transform_indices = @transform_7, window_bounds = array<i64: 64, 32>}, {pipeline_mode = #tpu.pipeline_mode<synchronous>, transform_indices = @transform_8, window_bounds = array<i64: 1, 64>}, {pipeline_mode = #tpu.pipeline_mode<synchronous>, transform_indices = @transform_9, window_bounds = array<i64: 8, 64>}, {pipeline_mode = #tpu.pipeline_mode<synchronous>, transform_indices = @transform_10, window_bounds = array<i64: 1, 8>}, {pipeline_mode = #tpu.pipeline_mode<synchronous>, transform_indices = @transform_11, window_bounds = array<i64: 1, 8>}, {transform_indices = @transform_12, window_bounds = array<i64: 1, 8, 25, 32>}, {transform_indices = @transform_13, window_bounds = array<i64: 1, 1, 8>}]} {
    %get3A = arith.constant 0 : index
    %get3A_0 = arith.constant 0 : index
    %get3A_1 = arith.constant 0 : index
    %get3A_2 = vector.load %arg1[%get3A, %get3A_0, %get3A_1] : memref<1x800x512xf32, #tpu.memory_space<vmem>>, vector<1x800x512xf32>
    %squeeze3A = vector.shape_cast %get3A_2 : vector<1x800x512xf32> to vector<800x512xf32>
    %reduce_sum3A = arith.constant dense<0.000000e+00> : vector<800xf32>
    %reduce_sum3A_3 = vector.multi_reduction <add>, %squeeze3A, %reduce_sum3A [1] : vector<800x512xf32> to vector<800xf32>
    %broadcast_in_dim3A = vector.shape_cast %reduce_sum3A_3 : vector<800xf32> to vector<800x1xf32>
    %mul3A = arith.constant 0.001953125 : f32
    %mul3A_4 = vector.broadcast %mul3A : f32 to vector<800x1xf32>
    %mul3A_5 = arith.mulf %broadcast_in_dim3A, %mul3A_4 : vector<800x1xf32>
    %get3A_6 = arith.constant 0 : index
    %get3A_7 = arith.constant 0 : index
    %get3A_8 = vector.load %arg2[%get3A_6, %get3A_7] : memref<32x800xf32, #tpu.memory_space<vmem>>, vector<32x800xf32>
    %get3A_9 = arith.constant 0 : index
    %get3A_10 = arith.constant 0 : index
    %get3A_11 = vector.load %arg3[%get3A_9, %get3A_10] : memref<800x25xf32, #tpu.memory_space<vmem>>, vector<800x25xf32>
    %mul3A_12 = vector.broadcast %mul3A_5 : vector<800x1xf32> to vector<800x25xf32>
    %mul3A_13 = arith.mulf %mul3A_12, %get3A_11 : vector<800x25xf32>
    %dot_general3A = arith.constant dense<0.000000e+00> : vector<32x25xf32>
    %dot_general3A_14 = tpu.matmul %get3A_8, %mul3A_13, %dot_general3A {dimension_numbers = #tpu.dot_dimension_numbers<[1], [0], [0], [1], [0, 0, 1, 1], [], []>, transpose_lhs_hint = false} : vector<32x800xf32>, vector<800x25xf32>, vector<32x25xf32> -> vector<32x25xf32>
    %get3A_15 = arith.constant 0 : index
    %get3A_16 = arith.constant 0 : index
    %get3A_17 = vector.load %arg4[%get3A_15, %get3A_16] : memref<64x32xf32, #tpu.memory_space<vmem>>, vector<64x32xf32>
    %dot_general3A_18 = arith.constant dense<0.000000e+00> : vector<64x25xf32>
    %dot_general3A_19 = tpu.matmul %get3A_17, %dot_general3A_14, %dot_general3A_18 {dimension_numbers = #tpu.dot_dimension_numbers<[1], [0], [0], [1], [0, 0, 1, 1], [], []>, transpose_lhs_hint = false} : vector<64x32xf32>, vector<32x25xf32>, vector<64x25xf32> -> vector<64x25xf32>
    %get3A_20 = arith.constant 0 : index
    %get3A_21 = arith.constant 0 : index
    %get3A_22 = vector.load %arg5[%get3A_20, %get3A_21] : memref<1x64xf32, #tpu.memory_space<vmem>>, vector<1x64xf32>
    %squeeze3A_23 = vector.shape_cast %get3A_22 : vector<1x64xf32> to vector<64xf32>
    %broadcast_in_dim3A_24 = vector.shape_cast %squeeze3A_23 : vector<64xf32> to vector<64x1xf32>
    %add3A = vector.broadcast %broadcast_in_dim3A_24 : vector<64x1xf32> to vector<64x25xf32>
    %add3A_25 = arith.addf %dot_general3A_19, %add3A : vector<64x25xf32>
    %get3A_26 = arith.constant 0 : index
    %get3A_27 = arith.constant 0 : index
    %get3A_28 = vector.load %arg6[%get3A_26, %get3A_27] : memref<64x32xf32, #tpu.memory_space<vmem>>, vector<64x32xf32>
    %dot_general3A_29 = arith.constant dense<0.000000e+00> : vector<64x25xf32>
    %dot_general3A_30 = tpu.matmul %get3A_28, %dot_general3A_14, %dot_general3A_29 {dimension_numbers = #tpu.dot_dimension_numbers<[1], [0], [0], [1], [0, 0, 1, 1], [], []>, transpose_lhs_hint = false} : vector<64x32xf32>, vector<32x25xf32>, vector<64x25xf32> -> vector<64x25xf32>
    %get3A_31 = arith.constant 0 : index
    %get3A_32 = arith.constant 0 : index
    %get3A_33 = vector.load %arg7[%get3A_31, %get3A_32] : memref<1x64xf32, #tpu.memory_space<vmem>>, vector<1x64xf32>
    %squeeze3A_34 = vector.shape_cast %get3A_33 : vector<1x64xf32> to vector<64xf32>
    %broadcast_in_dim3A_35 = vector.shape_cast %squeeze3A_34 : vector<64xf32> to vector<64x1xf32>
    %add3A_36 = vector.broadcast %broadcast_in_dim3A_35 : vector<64x1xf32> to vector<64x25xf32>
    %add3A_37 = arith.addf %dot_general3A_30, %add3A_36 : vector<64x25xf32>
    %reshape3A = vector.shape_cast %add3A_25 : vector<64x25xf32> to vector<8x8x25xf32>
    %reshape3A_38 = vector.shape_cast %add3A_37 : vector<64x25xf32> to vector<8x8x25xf32>
    %dot_general3A_39 = arith.constant dense<0.000000e+00> : vector<8x25x25xf32>
    %dot_general3A_40 = tpu.matmul %reshape3A, %reshape3A_38, %dot_general3A_39 {dimension_numbers = #tpu.dot_dimension_numbers<[1], [1], [2], [2], [0, 0, 0, 2, 1, 2], [0], [0]>, transpose_lhs_hint = false} : vector<8x8x25xf32>, vector<8x8x25xf32>, vector<8x25x25xf32> -> vector<8x25x25xf32>
    %mul3A_41 = arith.constant 0.353553385 : f32
    %mul3A_42 = vector.broadcast %mul3A_41 : f32 to vector<8x25x25xf32>
    %mul3A_43 = arith.mulf %dot_general3A_40, %mul3A_42 : vector<8x25x25xf32>
    %broadcast_in_dim3A_44 = arith.constant -1.000000e+30 : f32
    %broadcast_in_dim3A_45 = vector.broadcast %broadcast_in_dim3A_44 : f32 to vector<8x25x7xf32>
    %concatenate3A = tpu.concatenate %mul3A_43, %broadcast_in_dim3A_45 in 2 : vector<8x25x25xf32>, vector<8x25x7xf32> -> vector<8x25x32xf32>
    %broadcast_in_dim3A_46 = vector.shape_cast %concatenate3A : vector<8x25x32xf32> to vector<1x8x25x32xf32>
    %swap3A = arith.constant 0 : index
    %swap3A_47 = arith.constant 0 : index
    %swap3A_48 = arith.constant 0 : index
    %swap3A_49 = arith.constant 0 : index
    %swap3A_50 = vector.load %arg13[%swap3A, %swap3A_47, %swap3A_48, %swap3A_49] : memref<1x8x25x32xf32, #tpu.memory_space<vmem>>, vector<1x8x25x32xf32>
    tpu.vector_store %arg13[%swap3A, %swap3A_47, %swap3A_48, %swap3A_49], %broadcast_in_dim3A_46 {strides = array<i32>} : memref<1x8x25x32xf32, #tpu.memory_space<vmem>>, vector<1x8x25x32xf32>,
    %get3A_51 = arith.constant 0 : index
    %get3A_52 = arith.constant 0 : index
    %get3A_53 = vector.load %arg8[%get3A_51, %get3A_52] : memref<64x32xf32, #tpu.memory_space<vmem>>, vector<64x32xf32>
    %dot_general3A_54 = arith.constant dense<0.000000e+00> : vector<64x25xf32>
    %dot_general3A_55 = tpu.matmul %get3A_53, %dot_general3A_14, %dot_general3A_54 {dimension_numbers = #tpu.dot_dimension_numbers<[1], [0], [0], [1], [0, 0, 1, 1], [], []>, transpose_lhs_hint = false} : vector<64x32xf32>, vector<32x25xf32>, vector<64x25xf32> -> vector<64x25xf32>
    %get3A_56 = arith.constant 0 : index
    %get3A_57 = arith.constant 0 : index
    %get3A_58 = vector.load %arg9[%get3A_56, %get3A_57] : memref<1x64xf32, #tpu.memory_space<vmem>>, vector<1x64xf32>
    %squeeze3A_59 = vector.shape_cast %get3A_58 : vector<1x64xf32> to vector<64xf32>
    %broadcast_in_dim3A_60 = vector.shape_cast %squeeze3A_59 : vector<64xf32> to vector<64x1xf32>
    %add3A_61 = vector.broadcast %broadcast_in_dim3A_60 : vector<64x1xf32> to vector<64x25xf32>
    %add3A_62 = arith.addf %dot_general3A_55, %add3A_61 : vector<64x25xf32>
    %ge3A = arith.constant 0.000000e+00 : f32
    %ge3A_63 = vector.broadcast %ge3A : f32 to vector<64x25xf32>
    %ge3A_64 = arith.cmpf oge, %add3A_62, %ge3A_63 : vector<64x25xf32>
    %mul3A_65 = arith.constant 0.00999999977 : f32
    %mul3A_66 = vector.broadcast %mul3A_65 : f32 to vector<64x25xf32>
    %mul3A_67 = arith.mulf %mul3A_66, %add3A_62 : vector<64x25xf32>
    %select_n3A = arith.select %ge3A_64, %add3A_62, %mul3A_67 : vector<64x25xi1>, vector<64x25xf32>
    %get3A_68 = arith.constant 0 : index
    %get3A_69 = arith.constant 0 : index
    %get3A_70 = vector.load %arg10[%get3A_68, %get3A_69] : memref<8x64xf32, #tpu.memory_space<vmem>>, vector<8x64xf32>
    %dot_general3A_71 = arith.constant dense<0.000000e+00> : vector<8x25xf32>
    %dot_general3A_72 = tpu.matmul %get3A_70, %select_n3A, %dot_general3A_71 {dimension_numbers = #tpu.dot_dimension_numbers<[1], [0], [0], [1], [0, 0, 1, 1], [], []>, transpose_lhs_hint = false} : vector<8x64xf32>, vector<64x25xf32>, vector<8x25xf32> -> vector<8x25xf32>
    %get3A_73 = arith.constant 0 : index
    %get3A_74 = arith.constant 0 : index
    %get3A_75 = vector.load %arg11[%get3A_73, %get3A_74] : memref<1x8xf32, #tpu.memory_space<vmem>>, vector<1x8xf32>
    %squeeze3A_76 = vector.shape_cast %get3A_75 : vector<1x8xf32> to vector<8xf32>
    %broadcast_in_dim3A_77 = vector.shape_cast %squeeze3A_76 : vector<8xf32> to vector<8x1xf32>
    %add3A_78 = vector.broadcast %broadcast_in_dim3A_77 : vector<8x1xf32> to vector<8x25xf32>
    %add3A_79 = arith.addf %dot_general3A_72, %add3A_78 : vector<8x25xf32>
    %tanh3A = math.tanh %add3A_79 : vector<8x25xf32>
    %reduce_sum3A_80 = arith.constant dense<0.000000e+00> : vector<8xf32>
    %reduce_sum3A_81 = vector.multi_reduction <add>, %tanh3A, %reduce_sum3A_80 [1] : vector<8x25xf32> to vector<8xf32>
    %div3A = arith.constant 2.500000e+01 : f32
    %div3A_82 = vector.broadcast %div3A : f32 to vector<8xf32>
    %div3A_83 = arith.divf %reduce_sum3A_81, %div3A_82 : vector<8xf32>
    %get3A_84 = arith.constant 0 : index
    %get3A_85 = arith.constant 0 : index
    %get3A_86 = vector.load %arg12[%get3A_84, %get3A_85] : memref<1x8xf32, #tpu.memory_space<vmem>>, vector<1x8xf32>
    %squeeze3A_87 = vector.shape_cast %get3A_86 : vector<1x8xf32> to vector<8xf32>
    %add3A_88 = arith.addf %squeeze3A_87, %div3A_83 : vector<8xf32>
    %reduce_max3A = vector.shape_cast %add3A_88 : vector<8xf32> to vector<1x8xf32>
    %reduce_max3A_89 = arith.constant dense<0xFF800000> : vector<1xf32>
    %reduce_max3A_90 = vector.multi_reduction <maximumf>, %reduce_max3A, %reduce_max3A_89 [1] : vector<1x8xf32> to vector<1xf32>
    %reduce_max3A_91 = vector.shape_cast %reduce_max3A_90 : vector<1xf32> to vector<1x1xf32>
    %reduce_max3A_92 = vector.extract %reduce_max3A_91[0, 0] : f32 from vector<1x1xf32>
    %sub3A = vector.broadcast %reduce_max3A_92 : f32 to vector<8xf32>
    %sub3A_93 = arith.subf %add3A_88, %sub3A : vector<8xf32>
    %exp3A = math.exp %sub3A_93 : vector<8xf32>
    %reduce_sum3A_94 = vector.shape_cast %exp3A : vector<8xf32> to vector<1x8xf32>
    %reduce_sum3A_95 = arith.constant dense<0.000000e+00> : vector<1xf32>
    %reduce_sum3A_96 = vector.multi_reduction <add>, %reduce_sum3A_94, %reduce_sum3A_95 [1] : vector<1x8xf32> to vector<1xf32>
    %reduce_sum3A_97 = vector.shape_cast %reduce_sum3A_96 : vector<1xf32> to vector<1x1xf32>
    %reduce_sum3A_98 = vector.extract %reduce_sum3A_97[0, 0] : f32 from vector<1x1xf32>
    %div3A_99 = vector.broadcast %reduce_sum3A_98 : f32 to vector<8xf32>
    %div3A_100 = arith.divf %exp3A, %div3A_99 : vector<8xf32>
    %broadcast_in_dim3A_101 = vector.shape_cast %div3A_100 : vector<8xf32> to vector<1x1x8xf32>
    %swap3A_102 = arith.constant 0 : index
    %swap3A_103 = arith.constant 0 : index
    %swap3A_104 = arith.constant 0 : index
    %swap3A_105 = vector.load %arg14[%swap3A_102, %swap3A_103, %swap3A_104] : memref<1x1x8xf32, #tpu.memory_space<vmem>>, vector<1x1x8xf32>
    tpu.vector_store %arg14[%swap3A_102, %swap3A_103, %swap3A_104], %broadcast_in_dim3A_101 {strides = array<i32>} : memref<1x1x8xf32, #tpu.memory_space<vmem>>, vector<1x1x8xf32>,
    return
  }
  func.func @transform_0(%arg0: i32) -> (i32, i32, i32) {
    %c0_i32 = arith.constant 0 : i32
    %c0_i32_0 = arith.constant 0 : i32
    %c0_i32_1 = arith.constant 0 : i32
    return %arg0, %c0_i32, %c0_i32_0 : i32, i32, i32
  }
  func.func @transform_1(%arg0: i32) -> (i32, i32) {
    %c0_i32 = arith.constant 0 : i32
    %c0_i32_0 = arith.constant 0 : i32
    %c0_i32_1 = arith.constant 0 : i32
    return %c0_i32, %c0_i32_0 : i32, i32
  }
  func.func @transform_2(%arg0: i32) -> (i32, i32) {
    %c0_i32 = arith.constant 0 : i32
    %c0_i32_0 = arith.constant 0 : i32
    %c0_i32_1 = arith.constant 0 : i32
    return %c0_i32, %c0_i32_0 : i32, i32
  }
  func.func @transform_3(%arg0: i32) -> (i32, i32) {
    %c0_i32 = arith.constant 0 : i32
    %c0_i32_0 = arith.constant 0 : i32
    %c0_i32_1 = arith.constant 0 : i32
    return %c0_i32, %c0_i32_0 : i32, i32
  }
  func.func @transform_4(%arg0: i32) -> (i32, i32) {
    %c0_i32 = arith.constant 0 : i32
    %c0_i32_0 = arith.constant 0 : i32
    %c0_i32_1 = arith.constant 0 : i32
    return %c0_i32, %c0_i32_0 : i32, i32
  }
  func.func @transform_5(%arg0: i32) -> (i32, i32) {
    %c0_i32 = arith.constant 0 : i32
    %c0_i32_0 = arith.constant 0 : i32
    %c0_i32_1 = arith.constant 0 : i32
    return %c0_i32, %c0_i32_0 : i32, i32
  }
  func.func @transform_6(%arg0: i32) -> (i32, i32) {
    %c0_i32 = arith.constant 0 : i32
    %c0_i32_0 = arith.constant 0 : i32
    %c0_i32_1 = arith.constant 0 : i32
    return %c0_i32, %c0_i32_0 : i32, i32
  }
  func.func @transform_7(%arg0: i32) -> (i32, i32) {
    %c0_i32 = arith.constant 0 : i32
    %c0_i32_0 = arith.constant 0 : i32
    %c0_i32_1 = arith.constant 0 : i32
    return %c0_i32, %c0_i32_0 : i32, i32
  }
  func.func @transform_8(%arg0: i32) -> (i32, i32) {
    %c0_i32 = arith.constant 0 : i32
    %c0_i32_0 = arith.constant 0 : i32
    %c0_i32_1 = arith.constant 0 : i32
    return %c0_i32, %c0_i32_0 : i32, i32
  }
  func.func @transform_9(%arg0: i32) -> (i32, i32) {
    %c0_i32 = arith.constant 0 : i32
    %c0_i32_0 = arith.constant 0 : i32
    %c0_i32_1 = arith.constant 0 : i32
    return %c0_i32, %c0_i32_0 : i32, i32
  }
  func.func @transform_10(%arg0: i32) -> (i32, i32) {
    %c0_i32 = arith.constant 0 : i32
    %c0_i32_0 = arith.constant 0 : i32
    %c0_i32_1 = arith.constant 0 : i32
    return %c0_i32, %c0_i32_0 : i32, i32
  }
  func.func @transform_11(%arg0: i32) -> (i32, i32) {
    %c0_i32 = arith.constant 0 : i32
    %c0_i32_0 = arith.constant 0 : i32
    %c0_i32_1 = arith.constant 0 : i32
    return %c0_i32, %c0_i32_0 : i32, i32
  }
  func.func @transform_12(%arg0: i32) -> (i32, i32, i32, i32) {
    %c0_i32 = arith.constant 0 : i32
    %c0_i32_0 = arith.constant 0 : i32
    %c0_i32_1 = arith.constant 0 : i32
    %c0_i32_2 = arith.constant 0 : i32
    return %arg0, %c0_i32, %c0_i32_0, %c0_i32_1 : i32, i32, i32, i32
  }
  func.func @transform_13(%arg0: i32) -> (i32, i32, i32) {
    %c0_i32 = arith.constant 0 : i32
    %c0_i32_0 = arith.constant 0 : i32
    %c0_i32_1 = arith.constant 0 : i32
    return %arg0, %c0_i32, %c0_i32_0 : i32, i32, i32
  }
}

module attributes {stable_mosaic.version = 14 : i64} {
  func.func @_stage3_body(%arg0: i32, %arg1: memref<4x800x512xf32, #tpu.memory_space<vmem>>, %arg2: memref<4x8x25x32xf32, #tpu.memory_space<vmem>>, %arg3: memref<4x1x8xf32, #tpu.memory_space<vmem>>, %arg4: memref<25x32xf32, #tpu.memory_space<vmem>>, %arg5: memref<1x1xf32, #tpu.memory_space<vmem>>, %arg6: memref<32x32xf32, #tpu.memory_space<vmem>>, %arg7: memref<32x1xf32, #tpu.memory_space<vmem>>, %arg8: memref<32x1xf32, #tpu.memory_space<vmem>>, %arg9: memref<800x32xf32, #tpu.memory_space<vmem>>, %arg10: memref<32x800xf32, #tpu.memory_space<vmem>>, %arg11: memref<800x25xf32, #tpu.memory_space<vmem>>, %arg12: memref<25x800xf32, #tpu.memory_space<vmem>>, %arg13: memref<25x25xf32, #tpu.memory_space<vmem>>, %arg14: memref<4x800x512xf32, #tpu.memory_space<vmem>>, %arg15: memref<4x25x32xf32, #tpu.memory_space<vmem>>) attributes {dimension_semantics = [#tpu.dimension_semantics<arbitrary>], iteration_bounds = array<i64: 32>, scalar_prefetch = 0 : i64, scratch_operands = 0 : i64, tpu.core_type = #tpu.core_type<tc>, window_params = [{transform_indices = @transform_0, window_bounds = array<i64: 4, 800, 512>}, {transform_indices = @transform_1, window_bounds = array<i64: 4, 8, 25, 32>}, {transform_indices = @transform_2, window_bounds = array<i64: 4, 1, 8>}, {pipeline_mode = #tpu.pipeline_mode<synchronous>, transform_indices = @transform_3, window_bounds = array<i64: 25, 32>}, {pipeline_mode = #tpu.pipeline_mode<synchronous>, transform_indices = @transform_4, window_bounds = array<i64: 1, 1>}, {pipeline_mode = #tpu.pipeline_mode<synchronous>, transform_indices = @transform_5, window_bounds = array<i64: 32, 32>}, {pipeline_mode = #tpu.pipeline_mode<synchronous>, transform_indices = @transform_6, window_bounds = array<i64: 32, 1>}, {pipeline_mode = #tpu.pipeline_mode<synchronous>, transform_indices = @transform_7, window_bounds = array<i64: 32, 1>}, {pipeline_mode = #tpu.pipeline_mode<synchronous>, transform_indices = @transform_8, window_bounds = array<i64: 800, 32>}, {pipeline_mode = #tpu.pipeline_mode<synchronous>, transform_indices = @transform_9, window_bounds = array<i64: 32, 800>}, {pipeline_mode = #tpu.pipeline_mode<synchronous>, transform_indices = @transform_10, window_bounds = array<i64: 800, 25>}, {pipeline_mode = #tpu.pipeline_mode<synchronous>, transform_indices = @transform_11, window_bounds = array<i64: 25, 800>}, {pipeline_mode = #tpu.pipeline_mode<synchronous>, transform_indices = @transform_12, window_bounds = array<i64: 25, 25>}, {transform_indices = @transform_13, window_bounds = array<i64: 4, 800, 512>}, {transform_indices = @transform_14, window_bounds = array<i64: 4, 25, 32>}]} {
    %get3A = arith.constant 0 : index
    %get3A_0 = arith.constant 0 : index
    %get3A_1 = vector.load %arg4[%get3A, %get3A_0] : memref<25x32xf32, #tpu.memory_space<vmem>>, vector<25x32xf32>
    %abs3A = math.absf %get3A_1 : vector<25x32xf32>
    %reduce_sum3A = arith.constant dense<0.000000e+00> : vector<25xf32>
    %reduce_sum3A_2 = vector.multi_reduction <add>, %abs3A, %reduce_sum3A [1] : vector<25x32xf32> to vector<25xf32>
    %broadcast_in_dim3A = vector.shape_cast %reduce_sum3A_2 : vector<25xf32> to vector<25x1xf32>
    %add3A = arith.constant 9.99999993E-9 : f32
    %add3A_3 = vector.broadcast %add3A : f32 to vector<25x1xf32>
    %add3A_4 = arith.addf %broadcast_in_dim3A, %add3A_3 : vector<25x1xf32>
    %div3A = vector.broadcast %add3A_4 : vector<25x1xf32> to vector<25x32xf32>
    %div3A_5 = arith.divf %get3A_1, %div3A : vector<25x32xf32>
    %get3A_6 = arith.constant 0 : index
    %get3A_7 = arith.constant 0 : index
    %get3A_8 = vector.load %arg9[%get3A_6, %get3A_7] : memref<800x32xf32, #tpu.memory_space<vmem>>, vector<800x32xf32>
    %get3A_9 = arith.constant 0 : index
    %get3A_10 = arith.constant 0 : index
    %get3A_11 = vector.load %arg6[%get3A_9, %get3A_10] : memref<32x32xf32, #tpu.memory_space<vmem>>, vector<32x32xf32>
    %get3A_12 = arith.constant 0 : index
    %get3A_13 = arith.constant 0 : index
    %get3A_14 = vector.load %arg10[%get3A_12, %get3A_13] : memref<32x800xf32, #tpu.memory_space<vmem>>, vector<32x800xf32>
    %dot_general3A = arith.constant dense<0.000000e+00> : vector<32x800xf32>
    %dot_general3A_15 = tpu.matmul %get3A_11, %get3A_14, %dot_general3A {dimension_numbers = #tpu.dot_dimension_numbers<[1], [0], [0], [1], [0, 0, 1, 1], [], []>, transpose_lhs_hint = false} : vector<32x32xf32>, vector<32x800xf32>, vector<32x800xf32> -> vector<32x800xf32>
    %dot_general3A_16 = arith.constant dense<0.000000e+00> : vector<800x800xf32>
    %dot_general3A_17 = tpu.matmul %get3A_8, %dot_general3A_15, %dot_general3A_16 {dimension_numbers = #tpu.dot_dimension_numbers<[1], [0], [0], [1], [0, 0, 1, 1], [], []>, transpose_lhs_hint = false} : vector<800x32xf32>, vector<32x800xf32>, vector<800x800xf32> -> vector<800x800xf32>
    %get3A_18 = arith.constant 0 : index
    %get3A_19 = arith.constant 0 : index
    %get3A_20 = vector.load %arg9[%get3A_18, %get3A_19] : memref<800x32xf32, #tpu.memory_space<vmem>>, vector<800x32xf32>
    %get3A_21 = arith.constant 0 : index
    %get3A_22 = arith.constant 0 : index
    %get3A_23 = vector.load %arg7[%get3A_21, %get3A_22] : memref<32x1xf32, #tpu.memory_space<vmem>>, vector<32x1xf32>
    %dot_general3A_24 = arith.constant dense<0.000000e+00> : vector<800x1xf32>
    %dot_general3A_25 = tpu.matmul %get3A_20, %get3A_23, %dot_general3A_24 {dimension_numbers = #tpu.dot_dimension_numbers<[1], [0], [0], [1], [0, 0, 1, 1], [], []>, transpose_lhs_hint = false} : vector<800x32xf32>, vector<32x1xf32>, vector<800x1xf32> -> vector<800x1xf32>
    %get3A_26 = arith.constant 0 : index
    %get3A_27 = arith.constant 0 : index
    %get3A_28 = vector.load %arg9[%get3A_26, %get3A_27] : memref<800x32xf32, #tpu.memory_space<vmem>>, vector<800x32xf32>
    %get3A_29 = arith.constant 0 : index
    %get3A_30 = arith.constant 0 : index
    %get3A_31 = vector.load %arg8[%get3A_29, %get3A_30] : memref<32x1xf32, #tpu.memory_space<vmem>>, vector<32x1xf32>
    %dot_general3A_32 = arith.constant dense<0.000000e+00> : vector<800x1xf32>
    %dot_general3A_33 = tpu.matmul %get3A_28, %get3A_31, %dot_general3A_32 {dimension_numbers = #tpu.dot_dimension_numbers<[1], [0], [0], [1], [0, 0, 1, 1], [], []>, transpose_lhs_hint = false} : vector<800x32xf32>, vector<32x1xf32>, vector<800x1xf32> -> vector<800x1xf32>
    %get3A_34 = arith.constant 0 : index
    %get3A_35 = arith.constant 0 : index
    %get3A_36 = arith.constant 0 : index
    %get3A_37 = arith.constant 0 : index
    %get3A_38 = vector.load %arg2[%get3A_34, %get3A_35, %get3A_36, %get3A_37] : memref<4x8x25x32xf32, #tpu.memory_space<vmem>>, vector<4x8x25x32xf32>
    %slice3A = vector.extract_strided_slice %get3A_38 {offsets = [0, 0, 0, 0], sizes = [1, 8, 25, 32], strides = [1, 1, 1, 1]} : vector<4x8x25x32xf32> to vector<1x8x25x32xf32>
    %squeeze3A = vector.shape_cast %slice3A : vector<1x8x25x32xf32> to vector<8x25x32xf32>
    %get3A_39 = arith.constant 0 : index
    %get3A_40 = arith.constant 0 : index
    %get3A_41 = arith.constant 0 : index
    %get3A_42 = vector.load %arg3[%get3A_39, %get3A_40, %get3A_41] : memref<4x1x8xf32, #tpu.memory_space<vmem>>, vector<4x1x8xf32>
    %slice3A_43 = vector.extract_strided_slice %get3A_42 {offsets = [0, 0, 0], sizes = [1, 1, 8], strides = [1, 1, 1]} : vector<4x1x8xf32> to vector<1x1x8xf32>
    %squeeze3A_44 = vector.shape_cast %slice3A_43 : vector<1x1x8xf32> to vector<8xf32>
    %broadcast_in_dim3A_45 = vector.shape_cast %squeeze3A_44 : vector<8xf32> to vector<8x1x1xf32>
    %mul3A = vector.broadcast %broadcast_in_dim3A_45 : vector<8x1x1xf32> to vector<8x25x32xf32>
    %mul3A_46 = arith.mulf %mul3A, %squeeze3A : vector<8x25x32xf32>
    %reduce_sum3A_47 = arith.constant dense<0.000000e+00> : vector<25x32xf32>
    %reduce_sum3A_48 = vector.multi_reduction <add>, %mul3A_46, %reduce_sum3A_47 [0] : vector<8x25x32xf32> to vector<25x32xf32>
    %abs3A_49 = math.absf %reduce_sum3A_48 : vector<25x32xf32>
    %reduce_sum3A_50 = arith.constant dense<0.000000e+00> : vector<25xf32>
    %reduce_sum3A_51 = vector.multi_reduction <add>, %abs3A_49, %reduce_sum3A_50 [1] : vector<25x32xf32> to vector<25xf32>
    %broadcast_in_dim3A_52 = vector.shape_cast %reduce_sum3A_51 : vector<25xf32> to vector<25x1xf32>
    %add3A_53 = arith.constant 9.99999993E-9 : f32
    %add3A_54 = vector.broadcast %add3A_53 : f32 to vector<25x1xf32>
    %add3A_55 = arith.addf %broadcast_in_dim3A_52, %add3A_54 : vector<25x1xf32>
    %div3A_56 = vector.broadcast %add3A_55 : vector<25x1xf32> to vector<25x32xf32>
    %div3A_57 = arith.divf %reduce_sum3A_48, %div3A_56 : vector<25x32xf32>
    %get3A_58 = arith.constant 0 : index
    %get3A_59 = arith.constant 0 : index
    %get3A_60 = vector.load %arg5[%get3A_58, %get3A_59] : memref<1x1xf32, #tpu.memory_space<vmem>>, vector<1x1xf32>
    %get3A_61 = vector.extract %get3A_60[0, 0] : f32 from vector<1x1xf32>
    %max3A = arith.constant 0.000000e+00 : f32
    %max3A_62 = arith.maximumf %get3A_61, %max3A : f32
    %mul3A_63 = vector.broadcast %max3A_62 : f32 to vector<25x32xf32>
    %mul3A_64 = arith.mulf %mul3A_63, %div3A_57 : vector<25x32xf32>
    %add3A_65 = arith.addf %div3A_5, %mul3A_64 : vector<25x32xf32>
    %swap3A = arith.constant 0 : index
    %swap3A_66 = arith.constant 0 : index
    %swap3A_67 = arith.constant 0 : index
    %swap3A_68 = vector.load %arg15[%swap3A, %swap3A_66, %swap3A_67] : memref<4x25x32xf32, #tpu.memory_space<vmem>>, vector<1x25x32xf32>
    %swap3A_69 = vector.shape_cast %swap3A_68 : vector<1x25x32xf32> to vector<25x32xf32>
    %swap3A_70 = vector.shape_cast %add3A_65 : vector<25x32xf32> to vector<1x25x32xf32>
    tpu.vector_store %arg15[%swap3A, %swap3A_66, %swap3A_67], %swap3A_70 {strides = array<i32>} : memref<4x25x32xf32, #tpu.memory_space<vmem>>, vector<1x25x32xf32>,
    %slice3A_71 = vector.extract_strided_slice %add3A_65 {offsets = [0, 0], sizes = [25, 25], strides = [1, 1]} : vector<25x32xf32> to vector<25x25xf32>
    %get3A_72 = arith.constant 0 : index
    %get3A_73 = arith.constant 0 : index
    %get3A_74 = vector.load %arg11[%get3A_72, %get3A_73] : memref<800x25xf32, #tpu.memory_space<vmem>>, vector<800x25xf32>
    %get3A_75 = arith.constant 0 : index
    %get3A_76 = arith.constant 0 : index
    %get3A_77 = vector.load %arg12[%get3A_75, %get3A_76] : memref<25x800xf32, #tpu.memory_space<vmem>>, vector<25x800xf32>
    %dot_general3A_78 = arith.constant dense<0.000000e+00> : vector<25x800xf32>
    %dot_general3A_79 = tpu.matmul %slice3A_71, %get3A_77, %dot_general3A_78 {dimension_numbers = #tpu.dot_dimension_numbers<[1], [0], [0], [1], [0, 0, 1, 1], [], []>, transpose_lhs_hint = false} : vector<25x25xf32>, vector<25x800xf32>, vector<25x800xf32> -> vector<25x800xf32>
    %dot_general3A_80 = arith.constant dense<0.000000e+00> : vector<800x800xf32>
    %dot_general3A_81 = tpu.matmul %get3A_74, %dot_general3A_79, %dot_general3A_80 {dimension_numbers = #tpu.dot_dimension_numbers<[1], [0], [0], [1], [0, 0, 1, 1], [], []>, transpose_lhs_hint = false} : vector<800x25xf32>, vector<25x800xf32>, vector<800x800xf32> -> vector<800x800xf32>
    %mul3A_82 = arith.mulf %dot_general3A_81, %dot_general3A_17 : vector<800x800xf32>
    %get3A_83 = arith.constant 0 : index
    %get3A_84 = arith.constant 0 : index
    %get3A_85 = arith.constant 0 : index
    %get3A_86 = vector.load %arg1[%get3A_83, %get3A_84, %get3A_85] : memref<4x800x512xf32, #tpu.memory_space<vmem>>, vector<4x800x512xf32>
    %slice3A_87 = vector.extract_strided_slice %get3A_86 {offsets = [0, 0, 0], sizes = [1, 800, 512], strides = [1, 1, 1]} : vector<4x800x512xf32> to vector<1x800x512xf32>
    %squeeze3A_88 = vector.shape_cast %slice3A_87 : vector<1x800x512xf32> to vector<800x512xf32>
    %dot_general3A_89 = arith.constant dense<0.000000e+00> : vector<800x512xf32>
    %dot_general3A_90 = tpu.matmul %mul3A_82, %squeeze3A_88, %dot_general3A_89 {dimension_numbers = #tpu.dot_dimension_numbers<[1], [0], [0], [1], [0, 0, 1, 1], [], []>, transpose_lhs_hint = false} : vector<800x800xf32>, vector<800x512xf32>, vector<800x512xf32> -> vector<800x512xf32>
    %reduce_sum3A_91 = arith.constant dense<0.000000e+00> : vector<25xf32>
    %reduce_sum3A_92 = vector.multi_reduction <add>, %slice3A_71, %reduce_sum3A_91 [1] : vector<25x25xf32> to vector<25xf32>
    %broadcast_in_dim3A_93 = vector.shape_cast %reduce_sum3A_92 : vector<25xf32> to vector<25x1xf32>
    %get3A_94 = arith.constant 0 : index
    %get3A_95 = arith.constant 0 : index
    %get3A_96 = vector.load %arg11[%get3A_94, %get3A_95] : memref<800x25xf32, #tpu.memory_space<vmem>>, vector<800x25xf32>
    %dot_general3A_97 = arith.constant dense<0.000000e+00> : vector<800x1xf32>
    %dot_general3A_98 = tpu.matmul %get3A_96, %broadcast_in_dim3A_93, %dot_general3A_97 {dimension_numbers = #tpu.dot_dimension_numbers<[1], [0], [0], [1], [0, 0, 1, 1], [], []>, transpose_lhs_hint = false} : vector<800x25xf32>, vector<25x1xf32>, vector<800x1xf32> -> vector<800x1xf32>
    %mul3A_99 = arith.mulf %dot_general3A_25, %dot_general3A_98 : vector<800x1xf32>
    %add3A_100 = arith.addf %mul3A_99, %dot_general3A_33 : vector<800x1xf32>
    %add3A_101 = vector.broadcast %add3A_100 : vector<800x1xf32> to vector<800x512xf32>
    %add3A_102 = arith.addf %dot_general3A_90, %add3A_101 : vector<800x512xf32>
    %add3A_103 = arith.addf %add3A_102, %squeeze3A_88 : vector<800x512xf32>
    %max3A_104 = arith.constant 0.000000e+00 : f32
    %max3A_105 = vector.broadcast %max3A_104 : f32 to vector<800x512xf32>
    %max3A_106 = arith.maximumf %add3A_103, %max3A_105 : vector<800x512xf32>
    %swap3A_107 = arith.constant 0 : index
    %swap3A_108 = arith.constant 0 : index
    %swap3A_109 = arith.constant 0 : index
    %swap3A_110 = vector.load %arg14[%swap3A_107, %swap3A_108, %swap3A_109] : memref<4x800x512xf32, #tpu.memory_space<vmem>>, vector<1x800x512xf32>
    %swap3A_111 = vector.shape_cast %swap3A_110 : vector<1x800x512xf32> to vector<800x512xf32>
    %swap3A_112 = vector.shape_cast %max3A_106 : vector<800x512xf32> to vector<1x800x512xf32>
    tpu.vector_store %arg14[%swap3A_107, %swap3A_108, %swap3A_109], %swap3A_112 {strides = array<i32>} : memref<4x800x512xf32, #tpu.memory_space<vmem>>, vector<1x800x512xf32>,
    %get3A_113 = arith.constant 0 : index
    %get3A_114 = arith.constant 0 : index
    %get3A_115 = arith.constant 0 : index
    %get3A_116 = arith.constant 0 : index
    %get3A_117 = vector.load %arg2[%get3A_113, %get3A_114, %get3A_115, %get3A_116] : memref<4x8x25x32xf32, #tpu.memory_space<vmem>>, vector<4x8x25x32xf32>
    %slice3A_118 = vector.extract_strided_slice %get3A_117 {offsets = [1, 0, 0, 0], sizes = [1, 8, 25, 32], strides = [1, 1, 1, 1]} : vector<4x8x25x32xf32> to vector<1x8x25x32xf32>
    %squeeze3A_119 = vector.shape_cast %slice3A_118 : vector<1x8x25x32xf32> to vector<8x25x32xf32>
    %get3A_120 = arith.constant 0 : index
    %get3A_121 = arith.constant 0 : index
    %get3A_122 = arith.constant 0 : index
    %get3A_123 = vector.load %arg3[%get3A_120, %get3A_121, %get3A_122] : memref<4x1x8xf32, #tpu.memory_space<vmem>>, vector<4x1x8xf32>
    %slice3A_124 = vector.extract_strided_slice %get3A_123 {offsets = [1, 0, 0], sizes = [1, 1, 8], strides = [1, 1, 1]} : vector<4x1x8xf32> to vector<1x1x8xf32>
    %squeeze3A_125 = vector.shape_cast %slice3A_124 : vector<1x1x8xf32> to vector<8xf32>
    %broadcast_in_dim3A_126 = vector.shape_cast %squeeze3A_125 : vector<8xf32> to vector<8x1x1xf32>
    %mul3A_127 = vector.broadcast %broadcast_in_dim3A_126 : vector<8x1x1xf32> to vector<8x25x32xf32>
    %mul3A_128 = arith.mulf %mul3A_127, %squeeze3A_119 : vector<8x25x32xf32>
    %reduce_sum3A_129 = arith.constant dense<0.000000e+00> : vector<25x32xf32>
    %reduce_sum3A_130 = vector.multi_reduction <add>, %mul3A_128, %reduce_sum3A_129 [0] : vector<8x25x32xf32> to vector<25x32xf32>
    %abs3A_131 = math.absf %reduce_sum3A_130 : vector<25x32xf32>
    %reduce_sum3A_132 = arith.constant dense<0.000000e+00> : vector<25xf32>
    %reduce_sum3A_133 = vector.multi_reduction <add>, %abs3A_131, %reduce_sum3A_132 [1] : vector<25x32xf32> to vector<25xf32>
    %broadcast_in_dim3A_134 = vector.shape_cast %reduce_sum3A_133 : vector<25xf32> to vector<25x1xf32>
    %add3A_135 = arith.constant 9.99999993E-9 : f32
    %add3A_136 = vector.broadcast %add3A_135 : f32 to vector<25x1xf32>
    %add3A_137 = arith.addf %broadcast_in_dim3A_134, %add3A_136 : vector<25x1xf32>
    %div3A_138 = vector.broadcast %add3A_137 : vector<25x1xf32> to vector<25x32xf32>
    %div3A_139 = arith.divf %reduce_sum3A_130, %div3A_138 : vector<25x32xf32>
    %get3A_140 = arith.constant 0 : index
    %get3A_141 = arith.constant 0 : index
    %get3A_142 = vector.load %arg5[%get3A_140, %get3A_141] : memref<1x1xf32, #tpu.memory_space<vmem>>, vector<1x1xf32>
    %get3A_143 = vector.extract %get3A_142[0, 0] : f32 from vector<1x1xf32>
    %max3A_144 = arith.constant 0.000000e+00 : f32
    %max3A_145 = arith.maximumf %get3A_143, %max3A_144 : f32
    %mul3A_146 = vector.broadcast %max3A_145 : f32 to vector<25x32xf32>
    %mul3A_147 = arith.mulf %mul3A_146, %div3A_139 : vector<25x32xf32>
    %add3A_148 = arith.addf %div3A_5, %mul3A_147 : vector<25x32xf32>
    %swap3A_149 = arith.constant 1 : index
    %swap3A_150 = arith.constant 0 : index
    %swap3A_151 = arith.constant 0 : index
    %swap3A_152 = vector.load %arg15[%swap3A_149, %swap3A_150, %swap3A_151] : memref<4x25x32xf32, #tpu.memory_space<vmem>>, vector<1x25x32xf32>
    %swap3A_153 = vector.shape_cast %swap3A_152 : vector<1x25x32xf32> to vector<25x32xf32>
    %swap3A_154 = vector.shape_cast %add3A_148 : vector<25x32xf32> to vector<1x25x32xf32>
    tpu.vector_store %arg15[%swap3A_149, %swap3A_150, %swap3A_151], %swap3A_154 {strides = array<i32>} : memref<4x25x32xf32, #tpu.memory_space<vmem>>, vector<1x25x32xf32>,
    %slice3A_155 = vector.extract_strided_slice %add3A_148 {offsets = [0, 0], sizes = [25, 25], strides = [1, 1]} : vector<25x32xf32> to vector<25x25xf32>
    %get3A_156 = arith.constant 0 : index
    %get3A_157 = arith.constant 0 : index
    %get3A_158 = vector.load %arg11[%get3A_156, %get3A_157] : memref<800x25xf32, #tpu.memory_space<vmem>>, vector<800x25xf32>
    %get3A_159 = arith.constant 0 : index
    %get3A_160 = arith.constant 0 : index
    %get3A_161 = vector.load %arg12[%get3A_159, %get3A_160] : memref<25x800xf32, #tpu.memory_space<vmem>>, vector<25x800xf32>
    %dot_general3A_162 = arith.constant dense<0.000000e+00> : vector<25x800xf32>
    %dot_general3A_163 = tpu.matmul %slice3A_155, %get3A_161, %dot_general3A_162 {dimension_numbers = #tpu.dot_dimension_numbers<[1], [0], [0], [1], [0, 0, 1, 1], [], []>, transpose_lhs_hint = false} : vector<25x25xf32>, vector<25x800xf32>, vector<25x800xf32> -> vector<25x800xf32>
    %dot_general3A_164 = arith.constant dense<0.000000e+00> : vector<800x800xf32>
    %dot_general3A_165 = tpu.matmul %get3A_158, %dot_general3A_163, %dot_general3A_164 {dimension_numbers = #tpu.dot_dimension_numbers<[1], [0], [0], [1], [0, 0, 1, 1], [], []>, transpose_lhs_hint = false} : vector<800x25xf32>, vector<25x800xf32>, vector<800x800xf32> -> vector<800x800xf32>
    %mul3A_166 = arith.mulf %dot_general3A_165, %dot_general3A_17 : vector<800x800xf32>
    %get3A_167 = arith.constant 0 : index
    %get3A_168 = arith.constant 0 : index
    %get3A_169 = arith.constant 0 : index
    %get3A_170 = vector.load %arg1[%get3A_167, %get3A_168, %get3A_169] : memref<4x800x512xf32, #tpu.memory_space<vmem>>, vector<4x800x512xf32>
    %slice3A_171 = vector.extract_strided_slice %get3A_170 {offsets = [1, 0, 0], sizes = [1, 800, 512], strides = [1, 1, 1]} : vector<4x800x512xf32> to vector<1x800x512xf32>
    %squeeze3A_172 = vector.shape_cast %slice3A_171 : vector<1x800x512xf32> to vector<800x512xf32>
    %dot_general3A_173 = arith.constant dense<0.000000e+00> : vector<800x512xf32>
    %dot_general3A_174 = tpu.matmul %mul3A_166, %squeeze3A_172, %dot_general3A_173 {dimension_numbers = #tpu.dot_dimension_numbers<[1], [0], [0], [1], [0, 0, 1, 1], [], []>, transpose_lhs_hint = false} : vector<800x800xf32>, vector<800x512xf32>, vector<800x512xf32> -> vector<800x512xf32>
    %reduce_sum3A_175 = arith.constant dense<0.000000e+00> : vector<25xf32>
    %reduce_sum3A_176 = vector.multi_reduction <add>, %slice3A_155, %reduce_sum3A_175 [1] : vector<25x25xf32> to vector<25xf32>
    %broadcast_in_dim3A_177 = vector.shape_cast %reduce_sum3A_176 : vector<25xf32> to vector<25x1xf32>
    %get3A_178 = arith.constant 0 : index
    %get3A_179 = arith.constant 0 : index
    %get3A_180 = vector.load %arg11[%get3A_178, %get3A_179] : memref<800x25xf32, #tpu.memory_space<vmem>>, vector<800x25xf32>
    %dot_general3A_181 = arith.constant dense<0.000000e+00> : vector<800x1xf32>
    %dot_general3A_182 = tpu.matmul %get3A_180, %broadcast_in_dim3A_177, %dot_general3A_181 {dimension_numbers = #tpu.dot_dimension_numbers<[1], [0], [0], [1], [0, 0, 1, 1], [], []>, transpose_lhs_hint = false} : vector<800x25xf32>, vector<25x1xf32>, vector<800x1xf32> -> vector<800x1xf32>
    %mul3A_183 = arith.mulf %dot_general3A_25, %dot_general3A_182 : vector<800x1xf32>
    %add3A_184 = arith.addf %mul3A_183, %dot_general3A_33 : vector<800x1xf32>
    %add3A_185 = vector.broadcast %add3A_184 : vector<800x1xf32> to vector<800x512xf32>
    %add3A_186 = arith.addf %dot_general3A_174, %add3A_185 : vector<800x512xf32>
    %add3A_187 = arith.addf %add3A_186, %squeeze3A_172 : vector<800x512xf32>
    %max3A_188 = arith.constant 0.000000e+00 : f32
    %max3A_189 = vector.broadcast %max3A_188 : f32 to vector<800x512xf32>
    %max3A_190 = arith.maximumf %add3A_187, %max3A_189 : vector<800x512xf32>
    %swap3A_191 = arith.constant 1 : index
    %swap3A_192 = arith.constant 0 : index
    %swap3A_193 = arith.constant 0 : index
    %swap3A_194 = vector.load %arg14[%swap3A_191, %swap3A_192, %swap3A_193] : memref<4x800x512xf32, #tpu.memory_space<vmem>>, vector<1x800x512xf32>
    %swap3A_195 = vector.shape_cast %swap3A_194 : vector<1x800x512xf32> to vector<800x512xf32>
    %swap3A_196 = vector.shape_cast %max3A_190 : vector<800x512xf32> to vector<1x800x512xf32>
    tpu.vector_store %arg14[%swap3A_191, %swap3A_192, %swap3A_193], %swap3A_196 {strides = array<i32>} : memref<4x800x512xf32, #tpu.memory_space<vmem>>, vector<1x800x512xf32>,
    %get3A_197 = arith.constant 0 : index
    %get3A_198 = arith.constant 0 : index
    %get3A_199 = arith.constant 0 : index
    %get3A_200 = arith.constant 0 : index
    %get3A_201 = vector.load %arg2[%get3A_197, %get3A_198, %get3A_199, %get3A_200] : memref<4x8x25x32xf32, #tpu.memory_space<vmem>>, vector<4x8x25x32xf32>
    %slice3A_202 = vector.extract_strided_slice %get3A_201 {offsets = [2, 0, 0, 0], sizes = [1, 8, 25, 32], strides = [1, 1, 1, 1]} : vector<4x8x25x32xf32> to vector<1x8x25x32xf32>
    %squeeze3A_203 = vector.shape_cast %slice3A_202 : vector<1x8x25x32xf32> to vector<8x25x32xf32>
    %get3A_204 = arith.constant 0 : index
    %get3A_205 = arith.constant 0 : index
    %get3A_206 = arith.constant 0 : index
    %get3A_207 = vector.load %arg3[%get3A_204, %get3A_205, %get3A_206] : memref<4x1x8xf32, #tpu.memory_space<vmem>>, vector<4x1x8xf32>
    %slice3A_208 = vector.extract_strided_slice %get3A_207 {offsets = [2, 0, 0], sizes = [1, 1, 8], strides = [1, 1, 1]} : vector<4x1x8xf32> to vector<1x1x8xf32>
    %squeeze3A_209 = vector.shape_cast %slice3A_208 : vector<1x1x8xf32> to vector<8xf32>
    %broadcast_in_dim3A_210 = vector.shape_cast %squeeze3A_209 : vector<8xf32> to vector<8x1x1xf32>
    %mul3A_211 = vector.broadcast %broadcast_in_dim3A_210 : vector<8x1x1xf32> to vector<8x25x32xf32>
    %mul3A_212 = arith.mulf %mul3A_211, %squeeze3A_203 : vector<8x25x32xf32>
    %reduce_sum3A_213 = arith.constant dense<0.000000e+00> : vector<25x32xf32>
    %reduce_sum3A_214 = vector.multi_reduction <add>, %mul3A_212, %reduce_sum3A_213 [0] : vector<8x25x32xf32> to vector<25x32xf32>
    %abs3A_215 = math.absf %reduce_sum3A_214 : vector<25x32xf32>
    %reduce_sum3A_216 = arith.constant dense<0.000000e+00> : vector<25xf32>
    %reduce_sum3A_217 = vector.multi_reduction <add>, %abs3A_215, %reduce_sum3A_216 [1] : vector<25x32xf32> to vector<25xf32>
    %broadcast_in_dim3A_218 = vector.shape_cast %reduce_sum3A_217 : vector<25xf32> to vector<25x1xf32>
    %add3A_219 = arith.constant 9.99999993E-9 : f32
    %add3A_220 = vector.broadcast %add3A_219 : f32 to vector<25x1xf32>
    %add3A_221 = arith.addf %broadcast_in_dim3A_218, %add3A_220 : vector<25x1xf32>
    %div3A_222 = vector.broadcast %add3A_221 : vector<25x1xf32> to vector<25x32xf32>
    %div3A_223 = arith.divf %reduce_sum3A_214, %div3A_222 : vector<25x32xf32>
    %get3A_224 = arith.constant 0 : index
    %get3A_225 = arith.constant 0 : index
    %get3A_226 = vector.load %arg5[%get3A_224, %get3A_225] : memref<1x1xf32, #tpu.memory_space<vmem>>, vector<1x1xf32>
    %get3A_227 = vector.extract %get3A_226[0, 0] : f32 from vector<1x1xf32>
    %max3A_228 = arith.constant 0.000000e+00 : f32
    %max3A_229 = arith.maximumf %get3A_227, %max3A_228 : f32
    %mul3A_230 = vector.broadcast %max3A_229 : f32 to vector<25x32xf32>
    %mul3A_231 = arith.mulf %mul3A_230, %div3A_223 : vector<25x32xf32>
    %add3A_232 = arith.addf %div3A_5, %mul3A_231 : vector<25x32xf32>
    %swap3A_233 = arith.constant 2 : index
    %swap3A_234 = arith.constant 0 : index
    %swap3A_235 = arith.constant 0 : index
    %swap3A_236 = vector.load %arg15[%swap3A_233, %swap3A_234, %swap3A_235] : memref<4x25x32xf32, #tpu.memory_space<vmem>>, vector<1x25x32xf32>
    %swap3A_237 = vector.shape_cast %swap3A_236 : vector<1x25x32xf32> to vector<25x32xf32>
    %swap3A_238 = vector.shape_cast %add3A_232 : vector<25x32xf32> to vector<1x25x32xf32>
    tpu.vector_store %arg15[%swap3A_233, %swap3A_234, %swap3A_235], %swap3A_238 {strides = array<i32>} : memref<4x25x32xf32, #tpu.memory_space<vmem>>, vector<1x25x32xf32>,
    %slice3A_239 = vector.extract_strided_slice %add3A_232 {offsets = [0, 0], sizes = [25, 25], strides = [1, 1]} : vector<25x32xf32> to vector<25x25xf32>
    %get3A_240 = arith.constant 0 : index
    %get3A_241 = arith.constant 0 : index
    %get3A_242 = vector.load %arg11[%get3A_240, %get3A_241] : memref<800x25xf32, #tpu.memory_space<vmem>>, vector<800x25xf32>
    %get3A_243 = arith.constant 0 : index
    %get3A_244 = arith.constant 0 : index
    %get3A_245 = vector.load %arg12[%get3A_243, %get3A_244] : memref<25x800xf32, #tpu.memory_space<vmem>>, vector<25x800xf32>
    %dot_general3A_246 = arith.constant dense<0.000000e+00> : vector<25x800xf32>
    %dot_general3A_247 = tpu.matmul %slice3A_239, %get3A_245, %dot_general3A_246 {dimension_numbers = #tpu.dot_dimension_numbers<[1], [0], [0], [1], [0, 0, 1, 1], [], []>, transpose_lhs_hint = false} : vector<25x25xf32>, vector<25x800xf32>, vector<25x800xf32> -> vector<25x800xf32>
    %dot_general3A_248 = arith.constant dense<0.000000e+00> : vector<800x800xf32>
    %dot_general3A_249 = tpu.matmul %get3A_242, %dot_general3A_247, %dot_general3A_248 {dimension_numbers = #tpu.dot_dimension_numbers<[1], [0], [0], [1], [0, 0, 1, 1], [], []>, transpose_lhs_hint = false} : vector<800x25xf32>, vector<25x800xf32>, vector<800x800xf32> -> vector<800x800xf32>
    %mul3A_250 = arith.mulf %dot_general3A_249, %dot_general3A_17 : vector<800x800xf32>
    %get3A_251 = arith.constant 0 : index
    %get3A_252 = arith.constant 0 : index
    %get3A_253 = arith.constant 0 : index
    %get3A_254 = vector.load %arg1[%get3A_251, %get3A_252, %get3A_253] : memref<4x800x512xf32, #tpu.memory_space<vmem>>, vector<4x800x512xf32>
    %slice3A_255 = vector.extract_strided_slice %get3A_254 {offsets = [2, 0, 0], sizes = [1, 800, 512], strides = [1, 1, 1]} : vector<4x800x512xf32> to vector<1x800x512xf32>
    %squeeze3A_256 = vector.shape_cast %slice3A_255 : vector<1x800x512xf32> to vector<800x512xf32>
    %dot_general3A_257 = arith.constant dense<0.000000e+00> : vector<800x512xf32>
    %dot_general3A_258 = tpu.matmul %mul3A_250, %squeeze3A_256, %dot_general3A_257 {dimension_numbers = #tpu.dot_dimension_numbers<[1], [0], [0], [1], [0, 0, 1, 1], [], []>, transpose_lhs_hint = false} : vector<800x800xf32>, vector<800x512xf32>, vector<800x512xf32> -> vector<800x512xf32>
    %reduce_sum3A_259 = arith.constant dense<0.000000e+00> : vector<25xf32>
    %reduce_sum3A_260 = vector.multi_reduction <add>, %slice3A_239, %reduce_sum3A_259 [1] : vector<25x25xf32> to vector<25xf32>
    %broadcast_in_dim3A_261 = vector.shape_cast %reduce_sum3A_260 : vector<25xf32> to vector<25x1xf32>
    %get3A_262 = arith.constant 0 : index
    %get3A_263 = arith.constant 0 : index
    %get3A_264 = vector.load %arg11[%get3A_262, %get3A_263] : memref<800x25xf32, #tpu.memory_space<vmem>>, vector<800x25xf32>
    %dot_general3A_265 = arith.constant dense<0.000000e+00> : vector<800x1xf32>
    %dot_general3A_266 = tpu.matmul %get3A_264, %broadcast_in_dim3A_261, %dot_general3A_265 {dimension_numbers = #tpu.dot_dimension_numbers<[1], [0], [0], [1], [0, 0, 1, 1], [], []>, transpose_lhs_hint = false} : vector<800x25xf32>, vector<25x1xf32>, vector<800x1xf32> -> vector<800x1xf32>
    %mul3A_267 = arith.mulf %dot_general3A_25, %dot_general3A_266 : vector<800x1xf32>
    %add3A_268 = arith.addf %mul3A_267, %dot_general3A_33 : vector<800x1xf32>
    %add3A_269 = vector.broadcast %add3A_268 : vector<800x1xf32> to vector<800x512xf32>
    %add3A_270 = arith.addf %dot_general3A_258, %add3A_269 : vector<800x512xf32>
    %add3A_271 = arith.addf %add3A_270, %squeeze3A_256 : vector<800x512xf32>
    %max3A_272 = arith.constant 0.000000e+00 : f32
    %max3A_273 = vector.broadcast %max3A_272 : f32 to vector<800x512xf32>
    %max3A_274 = arith.maximumf %add3A_271, %max3A_273 : vector<800x512xf32>
    %swap3A_275 = arith.constant 2 : index
    %swap3A_276 = arith.constant 0 : index
    %swap3A_277 = arith.constant 0 : index
    %swap3A_278 = vector.load %arg14[%swap3A_275, %swap3A_276, %swap3A_277] : memref<4x800x512xf32, #tpu.memory_space<vmem>>, vector<1x800x512xf32>
    %swap3A_279 = vector.shape_cast %swap3A_278 : vector<1x800x512xf32> to vector<800x512xf32>
    %swap3A_280 = vector.shape_cast %max3A_274 : vector<800x512xf32> to vector<1x800x512xf32>
    tpu.vector_store %arg14[%swap3A_275, %swap3A_276, %swap3A_277], %swap3A_280 {strides = array<i32>} : memref<4x800x512xf32, #tpu.memory_space<vmem>>, vector<1x800x512xf32>,
    %get3A_281 = arith.constant 0 : index
    %get3A_282 = arith.constant 0 : index
    %get3A_283 = arith.constant 0 : index
    %get3A_284 = arith.constant 0 : index
    %get3A_285 = vector.load %arg2[%get3A_281, %get3A_282, %get3A_283, %get3A_284] : memref<4x8x25x32xf32, #tpu.memory_space<vmem>>, vector<4x8x25x32xf32>
    %slice3A_286 = vector.extract_strided_slice %get3A_285 {offsets = [3, 0, 0, 0], sizes = [1, 8, 25, 32], strides = [1, 1, 1, 1]} : vector<4x8x25x32xf32> to vector<1x8x25x32xf32>
    %squeeze3A_287 = vector.shape_cast %slice3A_286 : vector<1x8x25x32xf32> to vector<8x25x32xf32>
    %get3A_288 = arith.constant 0 : index
    %get3A_289 = arith.constant 0 : index
    %get3A_290 = arith.constant 0 : index
    %get3A_291 = vector.load %arg3[%get3A_288, %get3A_289, %get3A_290] : memref<4x1x8xf32, #tpu.memory_space<vmem>>, vector<4x1x8xf32>
    %slice3A_292 = vector.extract_strided_slice %get3A_291 {offsets = [3, 0, 0], sizes = [1, 1, 8], strides = [1, 1, 1]} : vector<4x1x8xf32> to vector<1x1x8xf32>
    %squeeze3A_293 = vector.shape_cast %slice3A_292 : vector<1x1x8xf32> to vector<8xf32>
    %broadcast_in_dim3A_294 = vector.shape_cast %squeeze3A_293 : vector<8xf32> to vector<8x1x1xf32>
    %mul3A_295 = vector.broadcast %broadcast_in_dim3A_294 : vector<8x1x1xf32> to vector<8x25x32xf32>
    %mul3A_296 = arith.mulf %mul3A_295, %squeeze3A_287 : vector<8x25x32xf32>
    %reduce_sum3A_297 = arith.constant dense<0.000000e+00> : vector<25x32xf32>
    %reduce_sum3A_298 = vector.multi_reduction <add>, %mul3A_296, %reduce_sum3A_297 [0] : vector<8x25x32xf32> to vector<25x32xf32>
    %abs3A_299 = math.absf %reduce_sum3A_298 : vector<25x32xf32>
    %reduce_sum3A_300 = arith.constant dense<0.000000e+00> : vector<25xf32>
    %reduce_sum3A_301 = vector.multi_reduction <add>, %abs3A_299, %reduce_sum3A_300 [1] : vector<25x32xf32> to vector<25xf32>
    %broadcast_in_dim3A_302 = vector.shape_cast %reduce_sum3A_301 : vector<25xf32> to vector<25x1xf32>
    %add3A_303 = arith.constant 9.99999993E-9 : f32
    %add3A_304 = vector.broadcast %add3A_303 : f32 to vector<25x1xf32>
    %add3A_305 = arith.addf %broadcast_in_dim3A_302, %add3A_304 : vector<25x1xf32>
    %div3A_306 = vector.broadcast %add3A_305 : vector<25x1xf32> to vector<25x32xf32>
    %div3A_307 = arith.divf %reduce_sum3A_298, %div3A_306 : vector<25x32xf32>
    %get3A_308 = arith.constant 0 : index
    %get3A_309 = arith.constant 0 : index
    %get3A_310 = vector.load %arg5[%get3A_308, %get3A_309] : memref<1x1xf32, #tpu.memory_space<vmem>>, vector<1x1xf32>
    %get3A_311 = vector.extract %get3A_310[0, 0] : f32 from vector<1x1xf32>
    %max3A_312 = arith.constant 0.000000e+00 : f32
    %max3A_313 = arith.maximumf %get3A_311, %max3A_312 : f32
    %mul3A_314 = vector.broadcast %max3A_313 : f32 to vector<25x32xf32>
    %mul3A_315 = arith.mulf %mul3A_314, %div3A_307 : vector<25x32xf32>
    %add3A_316 = arith.addf %div3A_5, %mul3A_315 : vector<25x32xf32>
    %swap3A_317 = arith.constant 3 : index
    %swap3A_318 = arith.constant 0 : index
    %swap3A_319 = arith.constant 0 : index
    %swap3A_320 = vector.load %arg15[%swap3A_317, %swap3A_318, %swap3A_319] : memref<4x25x32xf32, #tpu.memory_space<vmem>>, vector<1x25x32xf32>
    %swap3A_321 = vector.shape_cast %swap3A_320 : vector<1x25x32xf32> to vector<25x32xf32>
    %swap3A_322 = vector.shape_cast %add3A_316 : vector<25x32xf32> to vector<1x25x32xf32>
    tpu.vector_store %arg15[%swap3A_317, %swap3A_318, %swap3A_319], %swap3A_322 {strides = array<i32>} : memref<4x25x32xf32, #tpu.memory_space<vmem>>, vector<1x25x32xf32>,
    %slice3A_323 = vector.extract_strided_slice %add3A_316 {offsets = [0, 0], sizes = [25, 25], strides = [1, 1]} : vector<25x32xf32> to vector<25x25xf32>
    %get3A_324 = arith.constant 0 : index
    %get3A_325 = arith.constant 0 : index
    %get3A_326 = vector.load %arg11[%get3A_324, %get3A_325] : memref<800x25xf32, #tpu.memory_space<vmem>>, vector<800x25xf32>
    %get3A_327 = arith.constant 0 : index
    %get3A_328 = arith.constant 0 : index
    %get3A_329 = vector.load %arg12[%get3A_327, %get3A_328] : memref<25x800xf32, #tpu.memory_space<vmem>>, vector<25x800xf32>
    %dot_general3A_330 = arith.constant dense<0.000000e+00> : vector<25x800xf32>
    %dot_general3A_331 = tpu.matmul %slice3A_323, %get3A_329, %dot_general3A_330 {dimension_numbers = #tpu.dot_dimension_numbers<[1], [0], [0], [1], [0, 0, 1, 1], [], []>, transpose_lhs_hint = false} : vector<25x25xf32>, vector<25x800xf32>, vector<25x800xf32> -> vector<25x800xf32>
    %dot_general3A_332 = arith.constant dense<0.000000e+00> : vector<800x800xf32>
    %dot_general3A_333 = tpu.matmul %get3A_326, %dot_general3A_331, %dot_general3A_332 {dimension_numbers = #tpu.dot_dimension_numbers<[1], [0], [0], [1], [0, 0, 1, 1], [], []>, transpose_lhs_hint = false} : vector<800x25xf32>, vector<25x800xf32>, vector<800x800xf32> -> vector<800x800xf32>
    %mul3A_334 = arith.mulf %dot_general3A_333, %dot_general3A_17 : vector<800x800xf32>
    %get3A_335 = arith.constant 0 : index
    %get3A_336 = arith.constant 0 : index
    %get3A_337 = arith.constant 0 : index
    %get3A_338 = vector.load %arg1[%get3A_335, %get3A_336, %get3A_337] : memref<4x800x512xf32, #tpu.memory_space<vmem>>, vector<4x800x512xf32>
    %slice3A_339 = vector.extract_strided_slice %get3A_338 {offsets = [3, 0, 0], sizes = [1, 800, 512], strides = [1, 1, 1]} : vector<4x800x512xf32> to vector<1x800x512xf32>
    %squeeze3A_340 = vector.shape_cast %slice3A_339 : vector<1x800x512xf32> to vector<800x512xf32>
    %dot_general3A_341 = arith.constant dense<0.000000e+00> : vector<800x512xf32>
    %dot_general3A_342 = tpu.matmul %mul3A_334, %squeeze3A_340, %dot_general3A_341 {dimension_numbers = #tpu.dot_dimension_numbers<[1], [0], [0], [1], [0, 0, 1, 1], [], []>, transpose_lhs_hint = false} : vector<800x800xf32>, vector<800x512xf32>, vector<800x512xf32> -> vector<800x512xf32>
    %reduce_sum3A_343 = arith.constant dense<0.000000e+00> : vector<25xf32>
    %reduce_sum3A_344 = vector.multi_reduction <add>, %slice3A_323, %reduce_sum3A_343 [1] : vector<25x25xf32> to vector<25xf32>
    %broadcast_in_dim3A_345 = vector.shape_cast %reduce_sum3A_344 : vector<25xf32> to vector<25x1xf32>
    %get3A_346 = arith.constant 0 : index
    %get3A_347 = arith.constant 0 : index
    %get3A_348 = vector.load %arg11[%get3A_346, %get3A_347] : memref<800x25xf32, #tpu.memory_space<vmem>>, vector<800x25xf32>
    %dot_general3A_349 = arith.constant dense<0.000000e+00> : vector<800x1xf32>
    %dot_general3A_350 = tpu.matmul %get3A_348, %broadcast_in_dim3A_345, %dot_general3A_349 {dimension_numbers = #tpu.dot_dimension_numbers<[1], [0], [0], [1], [0, 0, 1, 1], [], []>, transpose_lhs_hint = false} : vector<800x25xf32>, vector<25x1xf32>, vector<800x1xf32> -> vector<800x1xf32>
    %mul3A_351 = arith.mulf %dot_general3A_25, %dot_general3A_350 : vector<800x1xf32>
    %add3A_352 = arith.addf %mul3A_351, %dot_general3A_33 : vector<800x1xf32>
    %add3A_353 = vector.broadcast %add3A_352 : vector<800x1xf32> to vector<800x512xf32>
    %add3A_354 = arith.addf %dot_general3A_342, %add3A_353 : vector<800x512xf32>
    %add3A_355 = arith.addf %add3A_354, %squeeze3A_340 : vector<800x512xf32>
    %max3A_356 = arith.constant 0.000000e+00 : f32
    %max3A_357 = vector.broadcast %max3A_356 : f32 to vector<800x512xf32>
    %max3A_358 = arith.maximumf %add3A_355, %max3A_357 : vector<800x512xf32>
    %swap3A_359 = arith.constant 3 : index
    %swap3A_360 = arith.constant 0 : index
    %swap3A_361 = arith.constant 0 : index
    %swap3A_362 = vector.load %arg14[%swap3A_359, %swap3A_360, %swap3A_361] : memref<4x800x512xf32, #tpu.memory_space<vmem>>, vector<1x800x512xf32>
    %swap3A_363 = vector.shape_cast %swap3A_362 : vector<1x800x512xf32> to vector<800x512xf32>
    %swap3A_364 = vector.shape_cast %max3A_358 : vector<800x512xf32> to vector<1x800x512xf32>
    tpu.vector_store %arg14[%swap3A_359, %swap3A_360, %swap3A_361], %swap3A_364 {strides = array<i32>} : memref<4x800x512xf32, #tpu.memory_space<vmem>>, vector<1x800x512xf32>,
    return
  }
  func.func @transform_0(%arg0: i32) -> (i32, i32, i32) {
    %c0_i32 = arith.constant 0 : i32
    %c0_i32_0 = arith.constant 0 : i32
    %c0_i32_1 = arith.constant 0 : i32
    return %arg0, %c0_i32, %c0_i32_0 : i32, i32, i32
  }
  func.func @transform_1(%arg0: i32) -> (i32, i32, i32, i32) {
    %c0_i32 = arith.constant 0 : i32
    %c0_i32_0 = arith.constant 0 : i32
    %c0_i32_1 = arith.constant 0 : i32
    %c0_i32_2 = arith.constant 0 : i32
    return %arg0, %c0_i32, %c0_i32_0, %c0_i32_1 : i32, i32, i32, i32
  }
  func.func @transform_2(%arg0: i32) -> (i32, i32, i32) {
    %c0_i32 = arith.constant 0 : i32
    %c0_i32_0 = arith.constant 0 : i32
    %c0_i32_1 = arith.constant 0 : i32
    return %arg0, %c0_i32, %c0_i32_0 : i32, i32, i32
  }
  func.func @transform_3(%arg0: i32) -> (i32, i32) {
    %c0_i32 = arith.constant 0 : i32
    %c0_i32_0 = arith.constant 0 : i32
    %c0_i32_1 = arith.constant 0 : i32
    return %c0_i32, %c0_i32_0 : i32, i32
  }
  func.func @transform_4(%arg0: i32) -> (i32, i32) {
    %c0_i32 = arith.constant 0 : i32
    %c0_i32_0 = arith.constant 0 : i32
    %c0_i32_1 = arith.constant 0 : i32
    return %c0_i32, %c0_i32_0 : i32, i32
  }
  func.func @transform_5(%arg0: i32) -> (i32, i32) {
    %c0_i32 = arith.constant 0 : i32
    %c0_i32_0 = arith.constant 0 : i32
    %c0_i32_1 = arith.constant 0 : i32
    return %c0_i32, %c0_i32_0 : i32, i32
  }
  func.func @transform_6(%arg0: i32) -> (i32, i32) {
    %c0_i32 = arith.constant 0 : i32
    %c0_i32_0 = arith.constant 0 : i32
    %c0_i32_1 = arith.constant 0 : i32
    return %c0_i32, %c0_i32_0 : i32, i32
  }
  func.func @transform_7(%arg0: i32) -> (i32, i32) {
    %c0_i32 = arith.constant 0 : i32
    %c0_i32_0 = arith.constant 0 : i32
    %c0_i32_1 = arith.constant 0 : i32
    return %c0_i32, %c0_i32_0 : i32, i32
  }
  func.func @transform_8(%arg0: i32) -> (i32, i32) {
    %c0_i32 = arith.constant 0 : i32
    %c0_i32_0 = arith.constant 0 : i32
    %c0_i32_1 = arith.constant 0 : i32
    return %c0_i32, %c0_i32_0 : i32, i32
  }
  func.func @transform_9(%arg0: i32) -> (i32, i32) {
    %c0_i32 = arith.constant 0 : i32
    %c0_i32_0 = arith.constant 0 : i32
    %c0_i32_1 = arith.constant 0 : i32
    return %c0_i32, %c0_i32_0 : i32, i32
  }
  func.func @transform_10(%arg0: i32) -> (i32, i32) {
    %c0_i32 = arith.constant 0 : i32
    %c0_i32_0 = arith.constant 0 : i32
    %c0_i32_1 = arith.constant 0 : i32
    return %c0_i32, %c0_i32_0 : i32, i32
  }
  func.func @transform_11(%arg0: i32) -> (i32, i32) {
    %c0_i32 = arith.constant 0 : i32
    %c0_i32_0 = arith.constant 0 : i32
    %c0_i32_1 = arith.constant 0 : i32
    return %c0_i32, %c0_i32_0 : i32, i32
  }
  func.func @transform_12(%arg0: i32) -> (i32, i32) {
    %c0_i32 = arith.constant 0 : i32
    %c0_i32_0 = arith.constant 0 : i32
    %c0_i32_1 = arith.constant 0 : i32
    return %c0_i32, %c0_i32_0 : i32, i32
  }
  func.func @transform_13(%arg0: i32) -> (i32, i32, i32) {
    %c0_i32 = arith.constant 0 : i32
    %c0_i32_0 = arith.constant 0 : i32
    %c0_i32_1 = arith.constant 0 : i32
    return %arg0, %c0_i32, %c0_i32_0 : i32, i32, i32
  }
  func.func @transform_14(%arg0: i32) -> (i32, i32, i32) {
    %c0_i32 = arith.constant 0 : i32
    %c0_i32_0 = arith.constant 0 : i32
    %c0_i32_1 = arith.constant 0 : i32
    return %arg0, %c0_i32, %c0_i32_0 : i32, i32, i32
  }
}

</mosaic_0001>

<sc_bundles>
// kernel: kernel.5.cloned.1.call-start
scs
__scs_entry_jumppad:
0x0: {  	(pc) =	sbr.rel $0x88, $3  }
0x1: {  	(tag) =	ssettag $0x0;
	lr =	simm.s32 $0x1  }
0x2: {  	[smem:$0x3F8E] =	sst lr;
	_ =	strace $0xD0000000  }
0x3: {  	_ = 	snop  }
0x4: {  	_ = 	snop  }
0x5: {  	_ = 	snop  }
0x6: {  	_ = 	snop  }
0x7: {  	_ = 	snop  }
__scs_overlays_trampoline_lowered:
0x8: {  	[smem:$0x3F9D] =	sst s0  }
0x9: {  	[smem:$0x3F9E] =	sst s1  }
0xa: {  	[smem:$0x3F9F] =	sst s2  }
0xb: {  	[smem:$0x3FA0] =	sst s3  }
0xc: {  	[smem:$0x3FA1] =	sst s4  }
0xd: {  	[smem:$0x3FA2] =	sst s5  }
0xe: {  	[smem:$0x3FA3] =	sst s6  }
0xf: {  	[smem:$0x3FA4] =	sst s7  }
0x10: {  	[smem:$0x3FA5] =	sst s8  }
0x11: {  	[smem:$0x3FA6] =	sst s9;
	s0 =	simm.s32 @!p0 $0x0  }
0x12: {  	s1 =	sld [smem:$0x3F8C];
	s0 =	simm.s32 @p0 $0x1  }
0x13: {  	[smem:$0x3FA7] =	sst s0;
	s0 =	simm.s32 @!p1 $0x0  }
0x14: {  	s2 =	sld [smem:$0x3F8B];
	s0 =	simm.s32 @p1 $0x1  }
0x15: {  	[smem:$0x3FA8] =	sst s0;
	s0 =	simm.s32 @!p2 $0x0  }
0x16: {  	s3 =	sld [smem:$0x3FDB];
	s0 =	simm.s32 @p2 $0x1  }
0x17: {  	s4 =	simm.s32 $0x1BF5;
	[smem:$0x3FAA] =	sst s0  }
0x18: {  	s0 =	sld [smem:$0x3F8D];
	_ =	swait.ge [sflag:s4], $0x0  }
0x19: {  	s7 =	sld [smem:$0x3F8E]  }
0x1a: {  	s8 =	sadd.s32 $0xFFFFE003, lr  }
0x1b: {  	s9 =	sadd.s32 $0xFFFFFEF7, lr;
	s5 =	simm.s32 $0xFFFFFFFF;
	p2 =	slt.u32 s8, $0xFFFFF086  }
0x1c: {  	p1 =	slt.u32 s9, $0xF7A;
	s5 =	simm.s32 @!p2 $0x0  }
0x1d: {  	s5 =	simm.s32 @p1 $0x1;
	p0 =	seq.s32 s7, s2  }
0x1e: {  	s7 =	smul.u32 @!p0 $0xF7A, s2;
	p2 =	seq.s32 @!p0 s5, $0x0  }
0x1f: {  	s9 =	smul.u32 $0xF7A, s1;
	s8 =	simm.s32 @!p0 $0x1BF5;
	p2 =	por !p2, p0  }
0x20: {  	[sflag:s8] =	ssyncset.s32 @!p0 $0xFFFFF086;
	s6 =	sadd.s32 @!p0 s3, s7;
	s7 =	simm.s32 @!p0 $0x108  }
0x21: {  	s3 =	sadd.s32 s3, s9;
	s6 =	sadd.s32 @!p0 $0x88, s6;
	s7 =	simm.s32 @p2 $0x1082  }
0x22: {  	[simem:s7], [sflag:s8] =	dma.local @!p0 [hbm:s6], $0xF7A  }
0x23: {  	s9 =	sor.u32 $0xD0000000, s2;
	s6 =	simm.s32 $0x108;
	_ =	swait.ge @!p0 [sflag:s8], $0x0  }
0x24: {  	s3 =	sadd.s32 $0x88, s3;
	s6 =	simm.s32 @!p1 $0x1082;
	[sflag:s4] =	ssyncset.s32 $0xFFFFF086  }
0x25: {  	[simem:s6], [sflag:s4] =	dma.local [hbm:s3], $0xF7A  }
0x26: {  	[smem:$0x3F8E] =	sst s1;
	(tag) =	ssettag s2;
	_ =	strace s9  }
0x27: {  	s1 =	sld [smem:$0x3F9E]  }
0x28: {  	s2 =	sld [smem:$0x3F9F]  }
0x29: {  	s4 =	sld [smem:$0x3FA1]  }
0x2a: {  	p0 =	seq.s32 s5, $0x0;
	s5 =	sld [smem:$0x3FA2]  }
0x2b: {  	s6 =	sld [smem:$0x3FA3]  }
0x2c: {  	s7 =	sld [smem:$0x3FA4]  }
0x2d: {  	s3 =	simm.s32 $0x108;
	s8 =	sld [smem:$0x3FA5]  }
0x2e: {  	s3 =	simm.s32 @!p0 $0x1082;
	s9 =	sld [smem:$0x3FA6]  }
0x2f: {  	lr =	sadd.s32 s0, s3;
	s0 =	sld [smem:$0x3F9D]  }
0x30: {  	s3 =	sld [smem:$0x3FA0]  }
0x31: {  	[smem:$0x3FA9] =	sst s10  }
0x32: {  	s10 =	sld [smem:$0x3FA7];
	_ =	sdelay $0x3  }
0x33: {  	p0 =	seq.s32 s10, $0x1;
	s10 =	sld [smem:$0x3FA9];
	_ =	sdelay $0x3  }
0x34: {  	[smem:$0x3FA9] =	sst s10  }
0x35: {  	s10 =	sld [smem:$0x3FA8];
	_ =	sdelay $0x3  }
0x36: {  	p1 =	seq.s32 s10, $0x1;
	s10 =	sld [smem:$0x3FA9];
	_ =	sdelay $0x3  }
0x37: {  	[smem:$0x3FA9] =	sst s10  }
0x38: {  	s10 =	sld [smem:$0x3FAA]  }
0x39: {  	_ = 	snop;
	(pc) =	sbr.ind lr, $3  }
0x3a: {  	_ = 	snop  }
0x3b: {  	_ = 	snop  }
0x3c: {  	p2 =	seq.s32 s10, $0x1;
	s10 =	sld [smem:$0x3FA9]  }
0x3d: {  	_ =	shalt  }
0x3e: {  	_ =	shalt  }
0x3f: {  	_ =	shalt  }
0x40: {  	_ =	shalt  }
0x41: {  	_ =	shalt  }
0x42: {  	_ =	shalt  }
0x43: {  	_ =	shalt  }
0x44: {  	_ =	shalt  }
0x45: {  	_ =	shalt  }
0x46: {  	_ =	shalt  }
0x47: {  	_ =	shalt  }
0x48: {  	_ =	shalt  }
0x49: {  	_ =	shalt  }
0x4a: {  	_ =	shalt  }
0x4b: {  	_ =	shalt  }
0x4c: {  	_ =	shalt  }
0x4d: {  	_ =	shalt  }
0x4e: {  	_ =	shalt  }
0x4f: {  	_ =	shalt  }
0x50: {  	_ =	shalt  }
0x51: {  	_ =	shalt  }
0x52: {  	_ =	shalt  }
0x53: {  	_ =	shalt  }
0x54: {  	_ =	shalt  }
0x55: {  	_ =	shalt  }
0x56: {  	_ =	shalt  }
0x57: {  	_ =	shalt  }
0x58: {  	_ =	shalt  }
0x59: {  	_ =	shalt  }
0x5a: {  	_ =	shalt  }
0x5b: {  	_ =	shalt  }
0x5c: {  	_ =	shalt  }
0x5d: {  	_ =	shalt  }
0x5e: {  	_ =	shalt  }
0x5f: {  	_ =	shalt  }
0x60: {  	_ =	shalt  }
0x61: {  	_ =	shalt  }
0x62: {  	_ =	shalt  }
0x63: {  	_ =	shalt  }
0x64: {  	_ =	shalt  }
0x65: {  	_ =	shalt  }
0x66: {  	_ =	shalt  }
0x67: {  	_ =	shalt  }
0x68: {  	_ =	shalt  }
0x69: {  	_ =	shalt  }
0x6a: {  	_ =	shalt  }
0x6b: {  	_ =	shalt  }
0x6c: {  	_ =	shalt  }
0x6d: {  	_ =	shalt  }
0x6e: {  	_ =	shalt  }
0x6f: {  	_ =	shalt  }
0x70: {  	_ =	shalt  }
0x71: {  	_ =	shalt  }
0x72: {  	_ =	shalt  }
0x73: {  	_ =	shalt  }
0x74: {  	_ =	shalt  }
0x75: {  	_ =	shalt  }
0x76: {  	_ =	shalt  }
0x77: {  	_ =	shalt  }
0x78: {  	_ =	shalt  }
0x79: {  	_ =	shalt  }
0x7a: {  	_ =	shalt  }
0x7b: {  	_ =	shalt  }
0x7c: {  	_ =	shalt  }
0x7d: {  	_ =	shalt  }
0x7e: {  	_ =	shalt  }
0x7f: {  	_ =	shalt  }
0x80: {  	_ =	shalt  }
0x81: {  	_ =	shalt  }
0x82: {  	_ =	shalt  }
0x83: {  	_ =	shalt  }
0x84: {  	_ =	shalt  }
0x85: {  	_ =	shalt  }
0x86: {  	_ =	shalt  }
0x87: {  	_ =	shalt  }
.Lfunc_end0:
.L_simem_size_0:
called_computation.1_lowered:
.L_overlay_start_0:
0x88: {  	s2 =	sld [smem:$0x3FD9]  }
0x89: {  	s3 =	sld [smem:$0x3FFE];
	_ =	sdelay $0x1  }
0x8a: {  	s1 =	srdreg.scid  }
0x8b: {  	s0 =	sand.u32 $0x1, s1  }
0x8c: {  	s14 =	sshll.u32 s0, $0xA;
	s2 =	sadd.s32 s3, s2  }
0x8d: {  	s2 =	sadd.s32 s2, s14  }
0x8e: {  	[smem:$0x3FB5] =	sst s2  }
0x8f: {  	_ = 	snop  }
0x90: {  	s2 =	sld [smem:$0x3FD0];
	_ =	sdelay $0x2  }
0x91: {  	s15 =	simm.s32 $0xA;
	s4 =	simm.s32 $0x10  }
0x92: {  	[smem:s4], [sflag:s15] =	dma.local [hbm:s2], $0x1  }
0x93: {  	_ =	swait.eq [sflag:s15], $0x1  }
0x94: {  	[sflag:s15] =	ssyncset.done $0x0  }
0x95: {  	[sflag:s15] =	ssyncadd.s32 $0xFFFFFFFF  }
0x96: {  	s16 =	sld [smem:$0x10];
	(tm) =	ssettm $0x1  }
0x97: {  	s17 =	sld [smem:$0x3FFB];
	_ =	sdelay $0x3  }
0x98: {  	_ =	strace s17  }
0x99: {  	s3 =	sld [smem:$0x3FFC];
	_ =	sdelay $0x3  }
0x9a: {  	_ =	strace s3  }
0x9b: {  	s3 =	sld [smem:$0x3FFD];
	_ =	sdelay $0x3  }
0x9c: {  	_ =	strace s3  }
0x9d: {  	_ =	strace $0x8FFFFFFF  }
0x9e: {  	s18 =	sld [smem:$0x3FDB];
	_ =	sdelay $0x1  }
0x9f: {  	s19 =	simm.s32 $_scs_section_size  }
0xa0: {  	s5 =	simm.s32 $_size__tile_overlayer_lowered;
	s6 =	simm.s32 $_tile_overlayer_lowered  }
0xa1: {  	s22 =	simm.s32 $0x1BFF;
	s21 =	sshll.u32 s6, $0x1;
	s3 =	sadd.s32 s19, s18  }
0xa2: {  	s7 =	simm.s32 $0x0;
	s20 =	sshll.u32 s5, $0x1;
	s5 =	sadd.s32 s21, s3  }
0xa3: {  	[timem:s7], [sflag:s22] =	dma.local [hbm:s5], s20  }
0xa4: {  	_ =	swait.ge [sflag:s22], s20  }
0xa5: {  	s4 =	ssub.s32 $0x0, s20;
	[sflag:s22] =	ssyncset.done $0x0  }
0xa6: {  	[sflag:s22] =	ssyncadd.s32 s4;
	_ =	sdelay $0x1  }
0xa7: {  	s23 =	simm.s32 $0x1B8B  }
0xa8: {  	_ =	swait.ge [sflag:s23], $0x1  }
0xa9: {  	[sflag:s23] =	ssyncset.done $0x0  }
0xaa: {  	s25 =	simm.s32 $0x1B8E;
	s24 =	sld [smem:$0x3FFE];
	[sflag:s23] =	ssyncadd.s32 $0xFFFFFFFF  }
0xab: {  	s26 =	simm.s32 $execute0_lowered;
	[smem:$0x3FD2] =	sst s25  }
0xac: {  	s5 =	sshll.u32 s26, $0x1;
	_ =	strace $0x80000046;
	[dreg:$0x1] =	wrdreg $0xFFFFFFFF  }
0xad: {  	s28 =	simm.s32 $_size_execute0_lowered;
	s3 =	sadd.s32 s3, s5;
	[dreg:$0x0] =	wrdreg $0x0  }
0xae: {  	s5 =	sshll.u32 s28, $0x1;
	[dreg:$0x2] =	wrdreg s3  }
0xaf: {  	[dreg:$0x3] =	wrdreg s5  }
0xb0: {  	[dreg:$0x4] =	wrdreg $0xC0  }
0xb1: {  	_ =	task [dreg:s7], $0x5FFFF  }
0xb2: {  	[dreg:$0x1] =	wrdreg $0xFFFFFFFF  }
0xb3: {  	[dreg:$0x0] =	wrdreg $0x60  }
0xb4: {  	[dreg:$0x2] =	wrdreg s16  }
0xb5: {  	[dreg:$0x3] =	wrdreg s24  }
0xb6: {  	[dreg:$0x4] =	wrdreg $0x9  }
0xb7: {  	_ =	task.clear_ibuf [dreg:s7], $0x5FFFF;
	_ =	strace $0x90000046  }
0xb8: {  	s29 =	simm.s32 $0x9;
	_ =	strace $0x80000048  }
0xb9: {  	_ =	swait.ge [sflag:s29], $0x1  }
0xba: {  	[sflag:s29] =	ssyncadd.s32 $0xFFFFFFFF  }
0xbb: {  	_ =	strace $0x90000048  }
0xbc: {  	_ =	sfence  }
0xbd: {  	s30 =	sld [smem:$0x0];
	_ =	sdelay $0x2  }
0xbe: {  	s31 =	sshll.u32 s1, $0xD;
	s1 =	sshrl.u32 s1, $0x2  }
0xbf: {  	s3 =	sand.u32 $0x4000, s31;
	s1 =	sadd.s32 s1, s30  }
0xc0: {  	s0 =	sor.u32 s3, s0;
	s1 =	sshll.u32 s1, $0x11  }
0xc1: {  	s0 =	sor.u32 s1, s0  }
0xc2: {  	s0 =	sadd.s32 $0x8F2B, s0  }
0xc3: {  	[sflag:s0] =	ssyncadd.remote.s32 $0x1  }
0xc4: {  	_ =	sfence.sel $0xFFFF  }
0xc5: {  	[dreg:$0x0] =	wrdreg $0xFFFFFFFF;
	(pc) =	sbr.abs _section_cstart, $3  }
0xc6: {  	[dreg:$0x1] =	wrdreg $0xFFFFFFFF  }
0xc7: {  	_ =	task.clear_ibuf [dreg:s7], $0x2FFFF;
	_ =	strace $0x9FFFFFFF  }
0xc8: {  	(tm) =	ssettm $0x7FFFFFFF  }
0xc9: {  	_ =	shalt  }
tec
execute0_lowered:
.L_overlay_start_1:
0x0: {  	(tag) =	ssettag $0x1  }
0x1: {  	s3 =	rddreg [dreg:$0x0];
	s1 =	srdreg.scid  }
0x2: {  	s0 =	stileid.u32;
	s4 =	rddreg [dreg:$0x1]  }
0x3: {  	s8 =	simm.s32 $0x0;
	s5 =	sand.u32 $0x1, s1;
	s2 =	sshll.u32 s0, $0x1  }
0x4: {  	s6 =	sor.u32 s5, s2;
	s2 =	simm.s32 $0x0;
	s5 =	ssub.s32 $0x2, s5  }
0x5: {  	s6 =	smul.u32 $0xC80, s6;
	[smem:$0x7FF] =	sst s2;
	s7 =	sshrl.u32 s5, $0x1  }
0x6: {  	s1 =	rddreg [dreg:$0x2];
	_ =	strace $0x80000047;
	s5 =	ssub.s32 s5, s7  }
0x7: {  	s7 =	simm.s32 $0x6400;
	s4 =	sadd.s32 s6, s4;
	s3 =	sadd.s32 s3, s6  }
0x8: {  	v0 =	vlaneseq.u32;
	vm0 =	vcmask $0x1F24;
	v1 =	vimm.s32 $0x0;
	s5 =	smax.u32 s5, $0x1;
	s6 =	simm.s32 $0x1;
	s4 =	sadd.s32 $0x646000, s4  }
.LBB2_1:
0x9: {  	[tilespmem:s2], [sflag:$0x1] =	stream.linear.gather [hbm4b:s3+s2], $0x6400, $0x38;
	[tilespmem:$0xC800] =	vst v63  }
0xa: {  	_ =	swait.ge [sflag:s6], $0x6400  }
0xb: {  	[sflag:s6] =	ssyncset.done $0x0  }
0xc: {  	s10 =	simm.s32 $0x0;
	[sflag:s6] =	ssyncadd.s32 $0xFFFF9C00  }
0xd: {  	v3 =	vld [tilespmem:s10+$0x0]  }
0xe: {  	v6 =	vld [tilespmem:s10+$0x10];
	_ =	sdelay $0x3  }
0xf: {  	(xrf1) =	vsort.ascd.msk.f32 $0xffff, v3, v0  }
0x10: {  	(xrf1) =	vsort.dscd.msk.f32 $0xffff, v6, v0;
	_ =	sdelay $0x1  }
0x11: {  	s9 =	simm.s32 $0x20  }
0x12: {  	v9 =	vld [tilespmem:s9+$0x0];
	_ =	sdelay $0x2  }
0x13: {  	v8 =	vld [tilespmem:s9+$0x10];
	_ =	sdelay $0x1  }
0x14: {  	(xrf1) =	vsort.ascd.msk.f32 $0xffff, v9, v0;
	_ =	sdelay $0x2  }
0x15: {  	(xrf1) =	vsort.dscd.msk.f32 $0xffff, v8, v0;
	_ =	sdelay $0x1  }
0x16: {  	v2, _, _ =	vpop (xrf1)  }
0x17: {  	v4, _, _ =	vpop (xrf1)  }
0x18: {  	s11 =	simm.s32 $0x40;
	v2 =	vmax.f32 v2, v4  }
0x19: {  	(xrf1) =	vsort.dscd.msk.f32 $0xffff, v2, v0;
	v2 =	vld [tilespmem:s11+$0x0]  }
0x1a: {  	v11 =	vld [tilespmem:s11+$0x10];
	_ =	sdelay $0x3  }
0x1b: {  	(xrf1) =	vsort.ascd.msk.f32 $0xffff, v2, v0  }
0x1c: {  	v4, _, _ =	vpop (xrf1);
	(xrf1) =	vsort.dscd.msk.f32 $0xffff, v11, v0;
	_ =	sdelay $0x2  }
0x1d: {  	v5, _, _ =	vpop (xrf1)  }
0x1e: {  	v4 =	vmax.f32 v4, v5  }
0x1f: {  	(xrf1) =	vsort.dscd.msk.f32 $0xffff, v4, v0;
	_ =	sdelay $0x2  }
0x20: {  	s12 =	simm.s32 $0x60;
	v4, _, _ =	vpop (xrf1)  }
0x21: {  	(xrf0) =	vmax.scan.msk.f32 $0xffff, v4;
	v5 =	vsel vm0, $0xF149F2CA, v4;
	v4 =	vld [tilespmem:s12+$0x0]  }
0x22: {  	v10 =	vld [tilespmem:s12+$0x10];
	(xrf0) =	vmax.scan.msk.f32 $0xffff, v5;
	_ =	sdelay $0x2  }
0x23: {  	v7, _, _ =	vpop (xrf1)  }
0x24: {  	(xrf1) =	vsort.ascd.msk.f32 $0xffff, v4, v0;
	v13, _, _ =	vpop (xrf1)  }
0x25: {  	v5, _, _ =	vpop (xrf0);
	(xrf1) =	vsort.dscd.msk.f32 $0xffff, v10, v0  }
0x26: {  	v7 =	vmax.f32 v7, v13;
	v12, _, _ =	vpop (xrf0)  }
0x27: {  	v12 =	vbroadcast v12, $0xF;
	_ =	sdelay $0x1  }
0x28: {  	(xrf1) =	vsort.dscd.msk.f32 $0xffff, v7, v0;
	v5 =	vbroadcast v5, $0xF;
	v7, _, _ =	vpop (xrf1);
	vm1 =	veq.f32 v3, v12  }
0x29: {  	(xrf0) =	vmax.scan.msk.f32 $0xffff, v7;
	v13 =	vsel vm1, $0x1, v1  }
0x2a: {  	s13 =	simm.s32 $0x80;
	v14 =	vsub.f32 v3, v5;
	(xrf0) =	vadd.scan.msk.s32 $0xffff, v13;
	v13 =	vsub.f32 v6, v5  }
0x2b: {  	v7 =	vsel vm0, $0xF149F2CA, v7;
	vm2 =	veq.f32 v6, v12;
	vm3 =	vgt.f32 v6, v12;
	v5 =	vld [tilespmem:s13+$0x0]  }
0x2c: {  	vm4 =	vgt.f32 v3, v12;
	v6 =	vsel vm2, $0x1, v1;
	v13 =	vmul.f32 $1.442695020e+00, v13  }
0x2d: {  	v12 =	vmpcnt.ones.xlane vm4;
	(xrf0) =	vmax.scan.msk.f32 $0xffff, v7  }
0x2e: {  	v3 =	vmpcnt.ones.xlane vm3;
	v7 =	vld [tilespmem:s13+$0x10];
	(xrf0) =	vadd.scan.msk.s32 $0xffff, v6  }
0x2f: {  	v14 =	vmul.f32 $1.442695020e+00, v14;
	(erf) = vpow2.f32 v13;
	v6, _, _ =	vpop (xrf0)  }
0x30: {  	v3 =	vadd.s32 v3, v12;
	(xrf1) =	vsort.ascd.msk.f32 $0xffff, v5, v0;
	v13, _, _ =	vpop (xrf0)  }
0x31: {  	v3 =	vsub.s32 $0x9, v3;
	(erf) = vpow2.f32 v14;
	v12, _, _ =	vpop (xrf1)  }
0x32: {  	vm5 =	vle.s32 v13, v3;
	v13, _, _ =	vpop (xrf1)  }
0x33: {  	v6 =	vbroadcast v6, $0xF;
	v14, _, _ =	vpop (xrf0);
	(xrf1) =	vsort.dscd.msk.f32 $0xffff, v7, v0;
	v12 =	vmax.f32 v12, v13;
	v13 =	vmpcnt.ones.xlane vm1  }
0x34: {  	vm3 =	vmmov vm3;
	vm6 =	vmmov vm2;
	v14 =	vbroadcast v14, $0xF;
	v16, _, _ =	vpop (xrf0)  }
0x35: {  	v15 =	vsub.f32 v9, v6;
	vm5 =	vmand vm1, vm5;
	v13 =	vadd.s32 v13, v16  }
0x36: {  	vm4 =	vmor vm4, vm5;
	(xrf1) =	vsort.dscd.msk.f32 $0xffff, v12, v0;
	vm1 =	veq.f32 v9, v14;
	v12, _, _ =	vpop (xrf1);
	vm5 =	vle.s32 v13, v3  }
0x37: {  	v6 =	vsub.f32 v8, v6;
	v16 =	vsel vm1, $0x1, v1;
	(xrf0) =	vmax.scan.msk.f32 $0xffff, v12;
	vm5 =	vmand vm6, vm5  }
0x38: {  	v3 =	vpop (erf);
	v12 =	vsel vm0, $0xF149F2CA, v12;
	(xrf0) =	vadd.scan.msk.s32 $0xffff, v16;
	vm3 =	vmor vm3, vm5  }
0x39: {  	s14 =	simm.s32 $0xA0;
	vm7 =	vgt.f32 v8, v14;
	(xrf0) =	vmax.scan.msk.f32 $0xffff, v12;
	v12 =	vnsel vm3, $0x0, v3;
	v3 =	vmul.f32 $1.442695020e+00, v6  }
0x3a: {  	vm2 =	veq.f32 v8, v14;
	v8 =	vld [tilespmem:s14+$0x0];
	v16 =	vpop (erf);
	vm3 =	vgt.f32 v9, v14;
	v14 =	vmpcnt.ones.xlane vm7  }
0x3b: {  	v16 =	vnsel vm4, $0x0, v16  }
0x3c: {  	v13 =	vsel vm2, $0x1, v1;
	v9 =	vadd.f32 v12, v16;
	v17 =	vmpcnt.ones.xlane vm3  }
0x3d: {  	v15 =	vmul.f32 $1.442695020e+00, v15;
	(xrf0) =	vadd.scan.msk.s32 $0xffff, v13;
	(erf) = vpow2.f32 v3;
	v3, _, _ =	vpop (xrf0)  }
0x3e: {  	v6 =	vld [tilespmem:s14+$0x10];
	(xrf2) =	vadd.scan.msk.f32 $0xffff, v9;
	v9 =	vadd.s32 v14, v17;
	v14, _, _ =	vpop (xrf1)  }
0x3f: {  	(xrf1) =	vsort.ascd.msk.f32 $0xffff, v8, v0;
	v9 =	vsub.s32 $0x9, v9;
	v13, _, _ =	vpop (xrf0)  }
0x40: {  	vm6 =	vmmov vm2;
	vm4 =	vle.s32 v13, v9;
	v13, _, _ =	vpop (xrf0)  }
0x41: {  	vm5 =	vmmov vm7;
	(erf) = vpow2.f32 v15;
	v3 =	vbroadcast v3, $0xF;
	v15, _, _ =	vpop (xrf1)  }
0x42: {  	vm4 =	vmand vm1, vm4;
	v13 =	vbroadcast v13, $0xF;
	v14 =	vmax.f32 v14, v15  }
0x43: {  	(xrf1) =	vsort.dscd.msk.f32 $0xffff, v6, v0;
	v17 =	vsub.f32 v2, v3;
	v3 =	vsub.f32 v11, v3;
	v15 =	vmpcnt.ones.xlane vm1  }
0x44: {  	v18, _, _ =	vpop (xrf0);
	vm7 =	vmor vm3, vm4;
	vm1 =	veq.f32 v2, v13;
	vm3 =	vgt.f32 v11, v13  }
0x45: {  	(xrf1) =	vsort.dscd.msk.f32 $0xffff, v14, v0;
	vm2 =	veq.f32 v11, v13;
	v15 =	vadd.s32 v15, v18;
	v14, _, _ =	vpop (xrf1);
	v11 =	vsel vm1, $0x1, v1  }
0x46: {  	vm8 =	vle.s32 v15, v9;
	v9 =	vsel vm0, $0xF149F2CA, v14  }
0x47: {  	(xrf0) =	vmax.scan.msk.f32 $0xffff, v14  }
0x48: {  	v17 =	vmul.f32 $1.442695020e+00, v17;
	v3 =	vmul.f32 $1.442695020e+00, v3;
	vm4 =	vgt.f32 v2, v13;
	(xrf0) =	vadd.scan.msk.s32 $0xffff, v11;
	v11 =	vpop (erf)  }
0x49: {  	v19 =	vsel vm2, $0x1, v1;
	v15 =	vmpcnt.ones.xlane vm4;
	vm6 =	vmand vm6, vm8;
	(xrf0) =	vmax.scan.msk.f32 $0xffff, v9;
	v9, _, _ =	vpop (xrf2)  }
0x4a: {  	(erf) = vpow2.f32 v3;
	vm5 =	vmor vm5, vm6;
	v14 =	vpop (erf);
	v9 =	vbroadcast v9, $0xF  }
0x4b: {  	s15 =	simm.s32 $0xC0;
	(erf) = vpow2.f32 v17;
	v3 =	vnsel vm5, $0x0, v11;
	v2 =	vnsel vm7, $0x0, v14  }
0x4c: {  	v13 =	vmpcnt.ones.xlane vm3;
	v11 =	vadd.f32 v3, v2;
	(erf) = vrcp.f32 v9;
	v9 =	vld [tilespmem:s15+$0x0]  }
0x4d: {  	(xrf0) =	vadd.scan.msk.s32 $0xffff, v19;
	v17, _, _ =	vpop (xrf1)  }
0x4e: {  	v13 =	vadd.s32 v13, v15;
	v14, _, _ =	vpop (xrf0);
	(xrf2) =	vadd.scan.msk.f32 $0xffff, v11;
	v11 =	vld [tilespmem:s15+$0x10]  }
0x4f: {  	v13 =	vsub.s32 $0x9, v13;
	v15, _, _ =	vpop (xrf0)  }
0x50: {  	vm6 =	vle.s32 v15, v13;
	v15, _, _ =	vpop (xrf0)  }
0x51: {  	vm5 =	vmmov vm3;
	v14 =	vbroadcast v14, $0xF;
	v18, _, _ =	vpop (xrf1);
	vm3 =	vmand vm1, vm6;
	(xrf1) =	vsort.ascd.msk.f32 $0xffff, v9, v0  }
0x52: {  	v15 =	vbroadcast v15, $0xF;
	v17 =	vmax.f32 v17, v18;
	v18 =	vmpcnt.ones.xlane vm1  }
0x53: {  	vm6 =	vmmov vm2;
	v19 =	vsub.f32 v4, v14;
	v14 =	vsub.f32 v10, v14;
	v20, _, _ =	vpop (xrf0);
	(xrf1) =	vsort.dscd.msk.f32 $0xffff, v11, v0  }
0x54: {  	vm7 =	vmor vm4, vm3;
	vm4 =	vgt.f32 v10, v15;
	v18 =	vadd.s32 v18, v20;
	v20, _, _ =	vpop (xrf1)  }
0x55: {  	vm1 =	veq.f32 v4, v15;
	vm2 =	veq.f32 v10, v15;
	v19 =	vmul.f32 $1.442695020e+00, v19;
	(xrf0) =	vmax.scan.msk.f32 $0xffff, v20  }
0x56: {  	v10 =	vpop (erf);
	v14 =	vmul.f32 $1.442695020e+00, v14;
	vm3 =	vgt.f32 v4, v15;
	v21 =	vsel vm2, $0x1, v1;
	(xrf1) =	vsort.dscd.msk.f32 $0xffff, v17, v0  }
0x57: {  	vm15 =	vle.s32 v18, v13;
	v13 =	vsel vm1, $0x1, v1;
	v18 =	vsel vm0, $0xF149F2CA, v20;
	v17 =	vpop (erf)  }
0x58: {  	v15 =	vmpcnt.ones.xlane vm4;
	vm6 =	vmand vm6, vm15;
	(xrf0) =	vadd.scan.msk.s32 $0xffff, v13;
	(erf) = vpow2.f32 v14;
	v20 =	vpop (erf)  }
0x59: {  	s16 =	simm.s32 $0xE0;
	vm5 =	vmor vm5, vm6;
	v4 =	vnsel vm7, $0x0, v17;
	(xrf0) =	vmax.scan.msk.f32 $0xffff, v18;
	v22 =	vmul.f32 v20, v12  }
0x5a: {  	v13 =	vld [tilespmem:s16+$0x0];
	v18 =	vmpcnt.ones.xlane vm3;
	(erf) = vpow2.f32 v19;
	v10 =	vnsel vm5, $0x0, v10;
	(xrf0) =	vadd.scan.msk.s32 $0xffff, v21;
	v23, _, _ =	vpop (xrf2)  }
0x5b: {  	s17 =	simm.s32 $0x400;
	v14 =	vld [tilespmem:s16+$0x10];
	v17 =	vadd.f32 v10, v4;
	v12 =	vmul.f32 v20, v16;
	v16 =	vbroadcast v23, $0xF;
	[tilespmem:s10+$0x6410] =	vst v22  }
.LBB2_2:
0x5c: {  	p0 =	sne.s32 s17, $0x18F80;
	v19, _, _ =	vpop (xrf0);
	v15 =	vadd.s32 v15, v18;
	v20 =	vmov v9;
	s18 =	smov.u32 s17  }
0x5d: {  	[tilespmem:s10+$0x6400] =	vst v12;
	v12 =	vmovc v3;
	v3 =	vmovc v10;
	v10 =	vmov v7;
	v7 =	vmov v6;
	v6 =	vmov v11;
	s17 =	sadd.s32 $0x80, s17;
	s10 =	smov.u32 s9;
	s9 =	smov.u32 s11  }
0x5e: {  	vm5 =	vmmov vm4;
	s11 =	smov.u32 s12;
	s12 =	smov.u32 s13;
	s13 =	smov.u32 s14;
	v15 =	vsub.s32 $0x9, v15;
	v9, _, _ =	vpop (xrf0);
	(xrf2) =	vadd.scan.msk.f32 $0xffff, v17;
	(erf) = vrcp.f32 v16  }
0x5f: {  	s14 =	smov.u32 s15;
	s15 =	smov.u32 s16;
	v17 =	vbroadcast v19, $0xF;
	(xrf1) =	vsort.ascd.msk.f32 $0xffff, v13, v0;
	v16, _, _ =	vpop (xrf1);
	vm4 =	vle.s32 v9, v15;
	v9 =	vmov v13  }
0x60: {  	vm6 =	vmmov vm2;
	v13, _, _ =	vpop (xrf0);
	vm4 =	vmand vm1, vm4;
	v11 =	vmov v14  }
0x61: {  	v18 =	vsub.f32 v5, v17;
	v17 =	vsub.f32 v10, v17;
	(xrf1) =	vsort.dscd.msk.f32 $0xffff, v11, v0;
	v14, _, _ =	vpop (xrf1);
	v13 =	vbroadcast v13, $0xF  }
0x62: {  	v23 =	vmpcnt.ones.xlane vm1;
	vm7 =	vmor vm3, vm4;
	v21 =	vmax.f32 v16, v14;
	v19, _, _ =	vpop (xrf0)  }
0x63: {  	vm4 =	vgt.f32 v10, v13;
	vm1 =	veq.f32 v5, v13;
	vm2 =	veq.f32 v10, v13;
	v10 =	vpop (erf)  }
0x64: {  	v22 =	vmul.f32 $1.442695020e+00, v18;
	v19 =	vadd.s32 v23, v19;
	(xrf1) =	vsort.dscd.msk.f32 $0xffff, v21, v0;
	v14, _, _ =	vpop (xrf1);
	v21 =	vsel vm2, $0x1, v1  }
0x65: {  	v17 =	vmul.f32 $1.442695020e+00, v17;
	v18 =	vsel vm1, $0x1, v1;
	vm8 =	vle.s32 v19, v15;
	(xrf0) =	vmax.scan.msk.f32 $0xffff, v14;
	v16 =	vpop (erf)  }
.Ltmp0:
0x66: {  	vm3 =	vgt.f32 v5, v13;
	v5 =	vmovc v8;
	v14 =	vsel vm0, $0xF149F2CA, v14;
	vm6 =	vmand vm6, vm8;
	(xrf0) =	vadd.scan.msk.s32 $0xffff, v18;
	(pc) =	sbr.rel @p0 .LBB2_2-.Ltmp0, $4  }
0x67: {  	s16 =	sshra.s32 s18, $0x2;
	v15 =	vmpcnt.ones.xlane vm4;
	vm5 =	vmor vm5, vm6;
	v8 =	vnsel vm7, $0x0, v16;
	v16 =	vpop (erf)  }
0x68: {  	v10 =	vnsel vm5, $0x0, v10;
	v13 =	vld [tilespmem:s16+$0x0];
	(xrf0) =	vmax.scan.msk.f32 $0xffff, v14;
	(erf) = vpow2.f32 v17;
	v19, _, _ =	vpop (xrf2);
	v23 =	vmul.f32 v16, v12  }
0x69: {  	v18 =	vmpcnt.ones.xlane vm3;
	v17 =	vadd.f32 v10, v8;
	v12 =	vmul.f32 v16, v2;
	v2 =	vmovc v4;
	v4 =	vmovc v8;
	v14 =	vld [tilespmem:s16+$0x10]  }
0x6a: {  	v16 =	vbroadcast v19, $0xF;
	v8 =	vmovc v20;
	(xrf0) =	vadd.scan.msk.s32 $0xffff, v21;
	(erf) = vpow2.f32 v22;
	[tilespmem:s10+$0x6410] =	vst v23  }
0x6b: {  	_ = 	snop  }
0x6c: {  	v19, _, _ =	vpop (xrf0)  }
0x6d: {  	v62, _, _ =	vpop (xrf0);
	(xrf1) =	vsort.ascd.msk.f32 $0xffff, v13, v0  }
0x6e: {  	v20, _, _ =	vpop (xrf1);
	(xrf1) =	vsort.dscd.msk.f32 $0xffff, v14, v0  }
0x6f: {  	v21, _, _ =	vpop (xrf0)  }
0x70: {  	v22, _, _ =	vpop (xrf1);
	v21 =	vbroadcast v21, $0xF  }
0x71: {  	v20 =	vmax.f32 v20, v22  }
0x72: {  	vm5 =	veq.f32 v5, v21;
	(xrf1) =	vsort.dscd.msk.f32 $0xffff, v20, v0;
	v63, _, _ =	vpop (xrf1)  }
0x73: {  	v24 =	vsel vm5, $0x1, v1;
	(xrf0) =	vmax.scan.msk.f32 $0xffff, v63  }
0x74: {  	v15 =	vadd.s32 v15, v18;
	(xrf0) =	vadd.scan.msk.s32 $0xffff, v24  }
0x75: {  	vm7 =	vmmov vm4;
	v15 =	vsub.s32 $0x9, v15;
	v19 =	vbroadcast v19, $0xF  }
0x76: {  	v28 =	vmpcnt.ones.xlane vm1;
	vm6 =	vle.s32 v62, v15;
	v25, _, _ =	vpop (xrf0);
	v18 =	vsel vm0, $0xF149F2CA, v63  }
0x77: {  	vm14 =	vmand vm1, vm6;
	v26 =	vsub.f32 v5, v19;
	v19 =	vsub.f32 v7, v19;
	v27 =	vpop (erf);
	(xrf0) =	vmax.scan.msk.f32 $0xffff, v18  }
0x78: {  	(xrf2) =	vadd.scan.msk.f32 $0xffff, v17;
	vm2 =	vmmov vm2;
	(erf) = vrcp.f32 v16;
	vm6 =	vmor vm3, vm14;
	v23 =	vpop (erf)  }
0x79: {  	v30 =	vmul.f32 $1.442695020e+00, v19;
	v17 =	vmul.f32 $1.442695020e+00, v26;
	v16 =	vadd.s32 v28, v25;
	v32, _, _ =	vpop (xrf0)  }
0x7a: {  	vm1 =	veq.f32 v7, v21;
	vm15 =	vgt.f32 v7, v21;
	vm8 =	vle.s32 v16, v15;
	v33, _, _ =	vpop (xrf0)  }
0x7b: {  	vm3 =	vgt.f32 v5, v21;
	(erf) = vpow2.f32 v30;
	vm2 =	vmand vm2, vm8;
	v35, _, _ =	vpop (xrf1)  }
0x7c: {  	v29 =	vsel vm1, $0x1, v1;
	(erf) = vpow2.f32 v17;
	vm2 =	vmor vm7, vm2;
	v37, _, _ =	vpop (xrf1)  }
0x7d: {  	v5 =	vnsel vm6, $0x0, v23;
	v7 =	vnsel vm2, $0x0, v27;
	(xrf0) =	vadd.scan.msk.s32 $0xffff, v29;
	v38, _, _ =	vpop (xrf0);
	v17 =	vmax.f32 v35, v37  }
0x7e: {  	v39 =	vadd.f32 v7, v5;
	v40 =	vbroadcast v38, $0xF;
	(xrf1) =	vsort.dscd.msk.f32 $0xffff, v17, v0  }
0x7f: {  	v34 =	vmpcnt.ones.xlane vm15;
	v36 =	vmpcnt.ones.xlane vm3  }
0x80: {  	v41 =	vmpcnt.ones.xlane vm5;
	(xrf2) =	vadd.scan.msk.f32 $0xffff, v39;
	vm2 =	veq.f32 v8, v40;
	v44, _, _ =	vpop (xrf1)  }
0x81: {  	vm4 =	vmmov vm15;
	v16 =	vadd.s32 v34, v36;
	v45 =	vsel vm2, $0x1, v1;
	(xrf0) =	vmax.scan.msk.f32 $0xffff, v44  }
0x82: {  	v31, _, _ =	vpop (xrf2);
	v16 =	vsub.s32 $0x9, v16;
	v43 =	vbroadcast v32, $0xF;
	v46 =	vsel vm0, $0xF149F2CA, v44;
	(xrf0) =	vadd.scan.msk.s32 $0xffff, v45  }
0x83: {  	vm1 =	vmmov vm1;
	v15 =	vpop (erf);
	v19 =	vbroadcast v31, $0xF;
	vm11 =	vle.s32 v33, v16;
	(xrf0) =	vmax.scan.msk.f32 $0xffff, v46  }
0x84: {  	v42, _, _ =	vpop (xrf0);
	vm5 =	vmand vm5, vm11;
	v47 =	vsub.f32 v6, v43;
	v20 =	vsub.f32 v8, v43  }
0x85: {  	(erf) = vrcp.f32 v19;
	v48 =	vpop (erf);
	vm3 =	vmor vm3, vm5;
	v17 =	vadd.s32 v41, v42  }
0x86: {  	v49 =	vpop (erf);
	v50 =	vmul.f32 $1.442695020e+00, v47;
	v51 =	vmul.f32 $1.442695020e+00, v20;
	vm12 =	vle.s32 v17, v16  }
0x87: {  	vm13 =	veq.f32 v6, v40;
	vm14 =	vgt.f32 v8, v40;
	vm1 =	vmand vm1, vm12;
	v53, _, _ =	vpop (xrf0)  }
0x88: {  	v54 =	vsel vm13, $0x1, v1;
	(erf) = vpow2.f32 v50;
	vm1 =	vmor vm4, vm1;
	v55, _, _ =	vpop (xrf0)  }
0x89: {  	v16 =	vnsel vm3, $0x0, v49;
	(erf) = vpow2.f32 v51;
	v17 =	vnsel vm1, $0x0, v48;
	(xrf0) =	vadd.scan.msk.s32 $0xffff, v54;
	v58, _, _ =	vpop (xrf0)  }
0x8a: {  	vm3 =	vgt.f32 v6, v40;
	v52 =	vadd.f32 v17, v16;
	v20 =	vbroadcast v58, $0xF  }
0x8b: {  	v57 =	vmpcnt.ones.xlane vm14;
	v56 =	vmpcnt.ones.xlane vm3;
	v59, _, _ =	vpop (xrf2)  }
0x8c: {  	v24 =	vmpcnt.ones.xlane vm2;
	vm15 =	vmmov vm3;
	(xrf2) =	vadd.scan.msk.f32 $0xffff, v52;
	vm1 =	veq.f32 v9, v20;
	v60, _, _ =	vpop (xrf1)  }
0x8d: {  	v18 =	vadd.s32 v56, v57;
	v21 =	vbroadcast v59, $0xF;
	v61 =	vsel vm1, $0x1, v1;
	(xrf0) =	vmax.scan.msk.f32 $0xffff, v60  }
0x8e: {  	v18 =	vsub.s32 $0x9, v18;
	v6 =	vbroadcast v53, $0xF;
	v63 =	vsel vm0, $0xF149F2CA, v60;
	(xrf0) =	vadd.scan.msk.s32 $0xffff, v61  }
0x8f: {  	vm4 =	vmmov vm13;
	(erf) = vrcp.f32 v21;
	vm3 =	vle.s32 v55, v18;
	v25, _, _ =	vpop (xrf0);
	(xrf0) =	vmax.scan.msk.f32 $0xffff, v63  }
0x90: {  	v62 =	vpop (erf);
	vm3 =	vmand vm2, vm3;
	v26 =	vsub.f32 v9, v6;
	v6 =	vsub.f32 v11, v6  }
0x91: {  	v27 =	vpop (erf);
	vm12 =	vmor vm14, vm3;
	vm2 =	vgt.f32 v11, v20;
	vm13 =	veq.f32 v11, v20  }
0x92: {  	v29 =	vpop (erf);
	v8 =	vmul.f32 $1.442695020e+00, v26;
	v6 =	vmul.f32 $1.442695020e+00, v6;
	vm3 =	vgt.f32 v9, v20  }
0x93: {  	v19 =	vnsel vm12, $0x0, v29;
	v31 =	vmpcnt.ones.xlane vm2;
	v33 =	vmpcnt.ones.xlane vm3;
	v32, _, _ =	vpop (xrf0)  }
0x94: {  	v35 =	vsel vm13, $0x1, v1;
	v28 =	vadd.s32 v24, v25;
	(erf) = vpow2.f32 v6;
	v34, _, _ =	vpop (xrf0)  }
0x95: {  	vm14 =	vle.s32 v28, v18;
	(erf) = vpow2.f32 v8;
	v36 =	vbroadcast v32, $0xF;
	v37, _, _ =	vpop (xrf0)  }
0x96: {  	v6 =	vadd.s32 v31, v33;
	v30, _, _ =	vpop (xrf2);
	vm4 =	vmand vm4, vm14;
	v18 =	vbroadcast v37, $0xF  }
0x97: {  	vm4 =	vmor vm15, vm4;
	v11 =	vbroadcast v30, $0xF;
	(xrf0) =	vadd.scan.msk.s32 $0xffff, v35;
	v39 =	vsub.f32 v14, v36  }
0x98: {  	v38 =	vnsel vm4, $0x0, v27;
	v8 =	vsub.f32 v13, v36;
	vm4 =	veq.f32 v13, v18  }
0x99: {  	vm15 =	veq.f32 v14, v18;
	v9 =	vmul.f32 $1.442695020e+00, v39;
	v40 =	vsel vm4, $0x1, v1  }
0x9a: {  	(erf) = vrcp.f32 v11;
	v8 =	vmul.f32 $1.442695020e+00, v8;
	v41 =	vsel vm15, $0x1, v1;
	(xrf0) =	vadd.scan.msk.s32 $0xffff, v40  }
0x9b: {  	v42 =	vmpcnt.ones.xlane vm1;
	v6 =	vsub.s32 $0x9, v6;
	(erf) = vpow2.f32 v9;
	(xrf0) =	vadd.scan.msk.s32 $0xffff, v41  }
0x9c: {  	vm5 =	vmmov vm13;
	v44 =	vpop (erf);
	vm12 =	vle.s32 v34, v6;
	(erf) = vpow2.f32 v8  }
0x9d: {  	vm2 =	vmmov vm2;
	v51 =	vadd.f32 v38, v19;
	vm1 =	vmand vm1, vm12;
	v43, _, _ =	vpop (xrf0)  }
0x9e: {  	v45 =	vpop (erf);
	vm13 =	vgt.f32 v14, v18;
	vm14 =	vgt.f32 v13, v18;
	v9 =	vadd.s32 v42, v43  }
0x9f: {  	v48 =	vpop (erf);
	v46 =	vmpcnt.ones.xlane vm13;
	v47 =	vmpcnt.ones.xlane vm14;
	vm9 =	vle.s32 v9, v6  }
0xa0: {  	vm1 =	vmor vm3, vm1;
	v50 =	vmpcnt.ones.xlane vm4;
	vm3 =	vmand vm5, vm9;
	v49, _, _ =	vpop (xrf0)  }
0xa1: {  	v13 =	vnsel vm1, $0x0, v48;
	v6 =	vadd.s32 v46, v47;
	vm2 =	vmor vm2, vm3;
	v52, _, _ =	vpop (xrf0)  }
0xa2: {  	v6 =	vsub.s32 $0x9, v6;
	v11 =	vnsel vm2, $0x0, v45;
	v53 =	vadd.s32 v50, v52  }
0xa3: {  	v54 =	vpop (erf);
	vm2 =	vmmov vm15;
	vm1 =	vle.s32 v49, v6;
	vm3 =	vle.s32 v53, v6  }
0xa4: {  	vm15 =	vmmov vm13;
	vm1 =	vmand vm4, vm1;
	v56 =	vpop (erf);
	vm2 =	vmand vm2, vm3  }
0xa5: {  	(xrf2) =	vadd.scan.msk.f32 $0xffff, v51;
	v55 =	vadd.f32 v11, v13;
	vm1 =	vmor vm14, vm1;
	v57 =	vpop (erf);
	vm2 =	vmor vm15, vm2  }
0xa6: {  	v9 =	vnsel vm1, $0x0, v57;
	v6 =	vnsel vm2, $0x0, v56  }
0xa7: {  	(xrf2) =	vadd.scan.msk.f32 $0xffff, v55;
	v58 =	vadd.f32 v6, v9;
	_ =	sdelay $0x1  }
0xa8: {  	(xrf2) =	vadd.scan.msk.f32 $0xffff, v58;
	_ =	sdelay $0x5  }
0xa9: {  	v59, _, _ =	vpop (xrf2)  }
0xaa: {  	v18 =	vbroadcast v59, $0xF  }
0xab: {  	v20, _, _ =	vpop (xrf2)  }
0xac: {  	(erf) = vrcp.f32 v18;
	v20 =	vbroadcast v20, $0xF  }
0xad: {  	v3 =	vmul.f32 v15, v3;
	v60, _, _ =	vpop (xrf2)  }
0xae: {  	(erf) = vrcp.f32 v20;
	v18 =	vbroadcast v60, $0xF  }
0xaf: {  	[tilespmem:s10+$0x6400] =	vst v12;
	v2 =	vmul.f32 v15, v2  }
0xb0: {  	[tilespmem:s9+$0x6410] =	vst v3;
	v3 =	vmul.f32 v62, v10;
	(erf) = vrcp.f32 v18  }
0xb1: {  	[tilespmem:s9+$0x6400] =	vst v2;
	v2 =	vmul.f32 v62, v4  }
0xb2: {  	[tilespmem:s11+$0x6410] =	vst v3;
	v3 =	vmul.f32 v44, v7  }
0xb3: {  	[tilespmem:s11+$0x6400] =	vst v2;
	v2 =	vmul.f32 v44, v5  }
0xb4: {  	[tilespmem:s12+$0x6410] =	vst v3;
	v3 =	vmul.f32 v54, v17  }
0xb5: {  	[tilespmem:s12+$0x6400] =	vst v2;
	v2 =	vmul.f32 v54, v16;
	v61 =	vpop (erf)  }
0xb6: {  	[tilespmem:s13+$0x6410] =	vst v3;
	v3 =	vmul.f32 v61, v38  }
0xb7: {  	[tilespmem:s13+$0x6400] =	vst v2;
	v2 =	vmul.f32 v61, v19;
	v62 =	vpop (erf)  }
0xb8: {  	[tilespmem:s14+$0x6410] =	vst v3;
	v3 =	vmul.f32 v62, v11  }
0xb9: {  	[tilespmem:s14+$0x6400] =	vst v2;
	v2 =	vmul.f32 v62, v13;
	v63 =	vpop (erf)  }
0xba: {  	[tilespmem:s15+$0x6410] =	vst v3;
	v3 =	vmul.f32 v63, v6  }
0xbb: {  	s8 =	sadd.s32 $0x1, s8;
	[tilespmem:s15+$0x6400] =	vst v2;
	v2 =	vmul.f32 v63, v9  }
0xbc: {  	p0 =	sne.s32 s8, s5;
	[tilespmem:s16+$0x6410] =	vst v3  }
.Ltmp1:
0xbd: {  	[tilespmem:s16+$0x6400] =	vst v2;
	(pc) =	sbr.rel @p0 .LBB2_1-.Ltmp1, $4  }
0xbe: {  	[hbm4b:s4+s2] =	stream.linear.scatter [tilespmem:s7], [sflag:$0x1], $0x6400, $0x38;
	[tilespmem:$0xC800] =	vst v63  }
0xbf: {  	_ =	swait.ge [sflag:s6], $0x6400  }
0xc0: {  	[sflag:s6] =	ssyncset.done $0x0  }
0xc1: {  	[sflag:s6] =	ssyncadd.s32 $0xFFFF9C00  }
0xc2: {  	_ =	sfence.sel $0x180000  }
0xc3: {  	[bflag:$0x0] =	sbarrier.arrive $0xFFFF  }
0xc4: {  	p0 =	sne.s32 s0, $0x0;
	_ =	strace $0x90000047  }
0xc5: {  	s0 =	sadd.s32 @!p0 $0x100000, s1;
	[bflag:$0x2] =	sbarrier.arrive $0xFFFF  }
0xc6: {  	[sflag:s0] =	ssyncadd.tile.s32 @!p0 $0x1;
	_ =	shalt  }
.Lfunc_end2:
_tile_overlayer_lowered:
.L_overlay_start_2:
0xc7: {  	(tag) =	ssettag $0x2  }
0xc8: {  	s0 =	rddreg [dreg:$0x0];
	s2 =	stileid.u32  }
0xc9: {  	s1 =	rddreg [dreg:$0x1];
	p0 =	sne.s32 s2, $0x0  }
0xca: {  	s3 =	rddreg [dreg:$0x2];
	[bflag:$0x3] =	sbarrier.arrive $0xFFFF;
	s2 =	simm.s32 @!p0 $0x1C01  }
0xcb: {  	[timem:s3], [sflag:s2] =	dma.local @!p0 [hbm:s0], s1  }
0xcc: {  	s0 =	simm.s32 @!p0 $0x1  }
0xcd: {  	_ =	swait.ge @!p0 [sflag:s0], s1  }
0xce: {  	s1 =	ssub.s32 @!p0 $0x0, s1;
	[sflag:s0] =	ssyncset.done @!p0 $0x0  }
0xcf: {  	[sflag:s0] =	ssyncadd.s32 @!p0 s1  }
0xd0: {  	[bflag:$0x3] =	sbarrier.arrive $0xFFFF  }
0xd1: {  	_ =	shalt  }

// kernel: sparse-core-data-format-call.cloned.1.call-start
scs
called_computation_lowered:
.L_overlay_start_0:
0x0: {  	s2 =	sld [smem:$0x3FD9]  }
0x1: {  	s3 =	sld [smem:$0x3FFE];
	_ =	sdelay $0x1  }
0x2: {  	s1 =	srdreg.scid  }
0x3: {  	s0 =	sand.u32 $0x1, s1  }
0x4: {  	s15 =	sshll.u32 s0, $0xA;
	s2 =	sadd.s32 s3, s2  }
0x5: {  	s2 =	sadd.s32 s2, s15  }
0x6: {  	[smem:$0x3FB5] =	sst s2  }
0x7: {  	_ = 	snop  }
0x8: {  	s2 =	sld [smem:$0x3FD0];
	_ =	sdelay $0x2  }
0x9: {  	s16 =	simm.s32 $0xA;
	s4 =	simm.s32 $0x10  }
0xa: {  	[smem:s4], [sflag:s16] =	dma.local [hbm:s2], $0x1  }
0xb: {  	_ =	swait.eq [sflag:s16], $0x1  }
0xc: {  	[sflag:s16] =	ssyncset.done $0x0  }
0xd: {  	[sflag:s16] =	ssyncadd.s32 $0xFFFFFFFF  }
0xe: {  	s17 =	sld [smem:$0x10];
	(tm) =	ssettm $0x1  }
0xf: {  	s18 =	sld [smem:$0x3FFB];
	_ =	sdelay $0x3  }
0x10: {  	_ =	strace s18  }
0x11: {  	s3 =	sld [smem:$0x3FFC];
	_ =	sdelay $0x3  }
0x12: {  	_ =	strace s3  }
0x13: {  	s3 =	sld [smem:$0x3FFD];
	_ =	sdelay $0x3  }
0x14: {  	_ =	strace s3  }
0x15: {  	_ =	strace $0x8FFFFFFF  }
0x16: {  	s19 =	sld [smem:$0x3FDB];
	_ =	sdelay $0x1  }
0x17: {  	s20 =	simm.s32 $_scs_section_size  }
0x18: {  	s5 =	simm.s32 $_size__tile_overlayer_lowered;
	s6 =	simm.s32 $_tile_overlayer_lowered  }
0x19: {  	s23 =	simm.s32 $0x1BFF;
	s22 =	sshll.u32 s6, $0x1;
	s3 =	sadd.s32 s20, s19  }
0x1a: {  	s7 =	simm.s32 $0x0;
	s21 =	sshll.u32 s5, $0x1;
	s5 =	sadd.s32 s22, s3  }
0x1b: {  	[timem:s7], [sflag:s23] =	dma.local [hbm:s5], s21  }
0x1c: {  	_ =	swait.ge [sflag:s23], s21  }
0x1d: {  	s4 =	ssub.s32 $0x0, s21;
	[sflag:s23] =	ssyncset.done $0x0  }
0x1e: {  	[sflag:s23] =	ssyncadd.s32 s4;
	_ =	sdelay $0x1  }
0x1f: {  	s24 =	simm.s32 $0x1B8B  }
0x20: {  	_ =	swait.ge [sflag:s24], $0x1  }
0x21: {  	[sflag:s24] =	ssyncset.done $0x0  }
0x22: {  	s26 =	simm.s32 $0x1B8E;
	s25 =	sld [smem:$0x3FFE];
	[sflag:s24] =	ssyncadd.s32 $0xFFFFFFFF  }
0x23: {  	s27 =	simm.s32 $execute0_lowered;
	[smem:$0x3FD2] =	sst s26  }
0x24: {  	s5 =	sshll.u32 s27, $0x1;
	_ =	strace $0x80000049;
	[dreg:$0x1] =	wrdreg $0xFFFFFFFF  }
0x25: {  	s28 =	simm.s32 $_size_execute0_lowered;
	s3 =	sadd.s32 s3, s5;
	[dreg:$0x0] =	wrdreg $0x0  }
0x26: {  	s5 =	sshll.u32 s28, $0x1;
	[dreg:$0x2] =	wrdreg s3  }
0x27: {  	[dreg:$0x3] =	wrdreg s5  }
0x28: {  	[dreg:$0x4] =	wrdreg $0xC0  }
0x29: {  	_ =	task [dreg:s7], $0x5FFFF  }
0x2a: {  	[dreg:$0x1] =	wrdreg $0xFFFFFFFF  }
0x2b: {  	[dreg:$0x0] =	wrdreg $0x60  }
0x2c: {  	[dreg:$0x2] =	wrdreg s25  }
0x2d: {  	[dreg:$0x3] =	wrdreg s17  }
0x2e: {  	[dreg:$0x4] =	wrdreg $0x9  }
0x2f: {  	_ =	task.clear_ibuf [dreg:s7], $0x5FFFF;
	_ =	strace $0x90000049  }
0x30: {  	s29 =	simm.s32 $0x9;
	_ =	strace $0x8000004B  }
0x31: {  	_ =	swait.ge [sflag:s29], $0x1  }
0x32: {  	[sflag:s29] =	ssyncadd.s32 $0xFFFFFFFF  }
0x33: {  	_ =	strace $0x9000004B  }
0x34: {  	_ =	sfence  }
0x35: {  	s30 =	sld [smem:$0x0];
	_ =	sdelay $0x2  }
0x36: {  	s31 =	sshll.u32 s1, $0xD;
	s1 =	sshrl.u32 s1, $0x2  }
0x37: {  	s3 =	sand.u32 $0x4000, s31;
	s1 =	sadd.s32 s1, s30  }
0x38: {  	s0 =	sor.u32 s3, s0;
	s1 =	sshll.u32 s1, $0x11  }
0x39: {  	s0 =	sor.u32 s1, s0  }
0x3a: {  	s0 =	sadd.s32 $0x8F2B, s0  }
0x3b: {  	[sflag:s0] =	ssyncadd.remote.s32 $0x1  }
0x3c: {  	_ =	sfence.sel $0xFFFF  }
0x3d: {  	[dreg:$0x0] =	wrdreg $0xFFFFFFFF;
	(pc) =	sbr.abs _section_cstart, $3  }
0x3e: {  	[dreg:$0x1] =	wrdreg $0xFFFFFFFF  }
0x3f: {  	_ =	task.clear_ibuf [dreg:s7], $0x2FFFF;
	_ =	strace $0x9FFFFFFF  }
0x40: {  	(tm) =	ssettm $0x7FFFFFFF  }
0x41: {  	_ =	shalt  }
tec
execute0_lowered:
.L_overlay_start_1:
0x0: {  	(tag) =	ssettag $0x1  }
0x1: {  	s1 =	rddreg [dreg:$0x0]  }
0x2: {  	s2 =	rddreg [dreg:$0x1]  }
0x3: {  	s0 =	rddreg [dreg:$0x2];
	_ =	strace $0x8000004A;
	s4 =	srdreg.scid  }
0x4: {  	s6 =	simm.s32 $0x2;
	s12 =	simm.s32 $0x0;
	p0 =	por $0x0, $0x0  }
0x5: {  	s13 =	simm.s32 $0x0;
	s14 =	simm.s32 $0x0;
	s15 =	simm.s32 $0x0  }
.Ltmp0:
0x6: {  	s8 =	simm.s32 $0x0;
	s9 =	simm.s32 $0x0;
	(pc) =	sbr.rel .LBB1_1-.Ltmp0, $4  }
0x7: {  	s10 =	simm.s32 $0x0;
	s3 =	sadd.s32 $0x14200, s1;
	s5 =	sshll.u32 s4, $0x4  }
0x8: {  	s1 =	stileid.u32;
	s4 =	simm.s32 $0x1;
	s5 =	sand.u32 $0x10, s5  }
0x9: {  	s7 =	simm.s32 $0x0;
	[sflag:s4] =	ssyncpa.u1 $0x0;
	s5 =	sor.u32 s1, s5  }
0xa: {  	[sflag:s6] =	ssyncpa.u1 $0x0;
	s6 =	simm.s32 $0x64000;
	s11 =	smov.u32 s5  }
.LBB1_5:
0xb: {  	s16 =	sadd.s32 $0x80, s8  }
0xc: {  	s12 =	sadd.s32 $0x80, s9;
	s17 =	smov.u32 s9;
	p2 =	sgt.s32 s16, $0x1FF  }
0xd: {  	s17 =	smov.u32 @p2 s12  }
0xe: {  	s12 =	simm.s32 $0x1;
	p3 =	sgt.s32 s17, $0x7F  }
0xf: {  	s12 =	simm.s32 @!p3 $0x0  }
0x10: {  	s18 =	sadd.s32 s12, s10  }
0x11: {  	s19 =	smov.u32 s11;
	s12 =	sadd.s32 $0x20, s11;
	p4 =	sgt.s32 s18, $0x18  }
0x12: {  	p1 =	slt.u32 s7, $0x2;
	s19 =	smov.u32 @p4 s12  }
0x13: {  	s7 =	sadd.s32 $0x1, s7;
	s16 =	simm.s32 @p2 $0x0;
	p2 =	sgt.s32 s19, $0x1F  }
0x14: {  	s20 =	simm.s32 @!p1 $0x2;
	s19 =	smov.u32 @p2 s5;
	p2 =	sne.s32 s7, $0x66  }
.Ltmp1:
0x15: {  	s13 =	smov.u32 s9;
	_ =	swait.ge @!p1 [sflag:s20], $0x4000;
	(pc) =	sbr.rel @!p2 .LBB1_6-.Ltmp1, $4  }
0x16: {  	s14 =	smov.u32 s10;
	s15 =	smov.u32 s11;
	[sflag:s20] =	ssyncset.done @!p1 $0x0  }
0x17: {  	p0 =	por !p0, !p0;
	s17 =	simm.s32 @p3 $0x0;
	[sflag:s20] =	ssyncadd.s32 @!p1 $0xFFFFC000  }
0x18: {  	s9 =	smov.u32 s17;
	s18 =	simm.s32 @p4 $0x0;
	s12 =	smov.u32 s8  }
0x19: {  	s8 =	smov.u32 s16;
	s10 =	smov.u32 s18;
	s11 =	smov.u32 s19  }
.LBB1_1:
0x1a: {  	p1 =	sgt.u32 s7, $0x63  }
0x1b: {  	s16 =	sxor.u32 @!p1 $0xFFFFFFFF, s7;
	s17 =	sshll.u32 @!p1 s9, $0x9;
	s18 =	sshll.u32 @!p1 s8, $0x3  }
0x1c: {  	s19 =	sand.u32 @!p1 $0x78, s8;
	s17 =	sand.u32 @!p1 $0xF000, s17;
	s18 =	sand.u32 @!p1 $0xFC00, s18  }
0x1d: {  	s21 =	smul.u32 @!p1 $0x32000, s11;
	s17 =	sadd.s32 @!p1 s17, s18;
	s18 =	sshll.u32 @!p1 s9, $0x7  }
0x1e: {  	s16 =	sshll.u32 @!p1 s16, $0xE;
	s20 =	sand.u32 @!p1 $0x200, s18;
	s18 =	sand.u32 @!p1 $0x180, s18  }
0x1f: {  	s16 =	sand.u32 @!p1 $0x4000, s16;
	s17 =	sor.u32 @!p1 s20, s17;
	s18 =	sor.u32 @!p1 s19, s18  }
0x20: {  	s19 =	sshll.u32 @!p1 s10, $0xD;
	s20 =	sadd.s32 @!p1 s3, s21;
	s17 =	sshrl.u32 @!p1 s17, $0x3  }
0x21: {  	s18 =	sshrl.u32 @!p1 s18, $0x3;
	s19 =	sadd.s32 @!p1 s19, s20;
	s20 =	sand.u32 @!p1 $0x7, s8  }
0x22: {  	s17 =	sand.u32 @!p1 $0x1FC0, s17;
	s18 =	sadd.s32 @!p1 s18, s19;
	s19 =	sshll.u32 @!p1 s20, $0x12  }
0x23: {  	s17 =	sadd.s32 @!p1 s17, s18;
	s18 =	sor.u32 @!p1 $0x400, s19;
	s19 =	simm.s32 @!p1 $0x1000  }
0x24: {  	[tilespmem:s16], [sflag:$0x1] =	stream.strided.gather @!p1 [hbm4b:s17+s18], $0x4000, s19, s18, $0x38;
	[tilespmem:$0x10000] =	vst v63  }
0x25: {  	p1 =	seq.s32 s7, $0x0  }
0x26: {  	p2 =	seq.s32 @!p1 s7, $0x65  }
0x27: {  	p1 =	por p1, p2  }
.Ltmp2:
0x28: {  	_ = 	snop;
	(pc) =	sbr.rel @p1 .LBB1_5-.Ltmp2, $1  }
0x29: {  	_ =	sdelay $0x3  }
0x2a: {  	s16 =	simm.s32 $0x1  }
0x2b: {  	s16 =	simm.s32 @!p0 $0x0  }
0x2c: {  	s16 =	sshll.u32 s16, $0xE  }
0x2d: {  	s17 =	sor.u32 $0x40, s16  }
0x2e: {  	v1 =	vmov s17;
	_ =	sdelay $0x1  }
0x2f: {  	_ =	swait.ge [sflag:s4], $0x4000  }
0x30: {  	[sflag:s4] =	ssyncset.done $0x0  }
0x31: {  	s18 =	simm.s32 $0x0;
	[sflag:s4] =	ssyncadd.s32 $0xFFFFC000  }
0x32: {  	s16 =	sor.u32 $0x8070, s16;
	v7 =	vld.idx.msk [tilespmem:v1+s18+$0x30 ss:$0x1], $0xffff  }
0x33: {  	v0 =	vmov s16;
	v8 =	vld.idx.msk [tilespmem:v1+s18+$0xFFFFFFC0 ss:$0x1], $0xffff  }
0x34: {  	v6 =	vld.idx.msk [tilespmem:v1+s18+$0xFFFFFFD0 ss:$0x1], $0xffff  }
0x35: {  	v4 =	vld.idx.msk [tilespmem:v1+s18+$0xFFFFFFE0 ss:$0x1], $0xffff  }
0x36: {  	v2 =	vld.idx.msk [tilespmem:v1+s18+$0xFFFFFFF0 ss:$0x1], $0xffff  }
0x37: {  	s31 =	sshll.u32 s7, $0xE;
	v3 =	vld.idx.msk [tilespmem:v1+s18+$0x0 ss:$0x1], $0xffff  }
0x38: {  	s16 =	sand.u32 $0x4000, s31;
	v5 =	vld.idx.msk [tilespmem:v1+s18+$0x10 ss:$0x1], $0xffff;
	[tilespmem:v0+s18+$0x0 ss:$0x1] =	vst.idx.msk $0xffff, v7  }
0x39: {  	s19 =	simm.s32 $0x400;
	s17 =	simm.s32 $0x80;
	s16 =	sor.u32 $0x8000, s16;
	[tilespmem:v0+s18+$0xFFFFFF90 ss:$0x1] =	vst.idx.msk $0xffff, v8;
	v7 =	vld.idx.msk [tilespmem:v1+s18+$0x20 ss:$0x1], $0xffff  }
.LBB1_3:
0x3a: {  	p1 =	sne.s32 s19, $0xFE00;
	v8 =	vld.idx.msk [tilespmem:v1+s17+$0x30 ss:$0x1], $0xffff;
	[tilespmem:v0+s18+$0xFFFFFFA0 ss:$0x1] =	vst.idx.msk $0xffff, v6  }
0x3b: {  	v9 =	vld.idx.msk [tilespmem:v1+s17+$0xFFFFFFC0 ss:$0x1], $0xffff;
	[tilespmem:v0+s18+$0xFFFFFFB0 ss:$0x1] =	vst.idx.msk $0xffff, v4  }
0x3c: {  	v6 =	vld.idx.msk [tilespmem:v1+s17+$0xFFFFFFD0 ss:$0x1], $0xffff;
	[tilespmem:v0+s18+$0xFFFFFFC0 ss:$0x1] =	vst.idx.msk $0xffff, v2  }
.Ltmp3:
0x3d: {  	v4 =	vld.idx.msk [tilespmem:v1+s17+$0xFFFFFFE0 ss:$0x1], $0xffff;
	[tilespmem:v0+s18+$0xFFFFFFD0 ss:$0x1] =	vst.idx.msk $0xffff, v3;
	(pc) =	sbr.rel @p1 .LBB1_3-.Ltmp3, $4  }
0x3e: {  	v2 =	vld.idx.msk [tilespmem:v1+s17+$0xFFFFFFF0 ss:$0x1], $0xffff;
	[tilespmem:v0+s18+$0xFFFFFFE0 ss:$0x1] =	vst.idx.msk $0xffff, v5  }
0x3f: {  	v3 =	vld.idx.msk [tilespmem:v1+s17+$0x0 ss:$0x1], $0xffff;
	[tilespmem:v0+s18+$0xFFFFFFF0 ss:$0x1] =	vst.idx.msk $0xffff, v7;
	s18 =	smov.u32 s17  }
0x40: {  	v5 =	vld.idx.msk [tilespmem:v1+s18+$0x10 ss:$0x1], $0xffff;
	[tilespmem:v0+s18+$0x0 ss:$0x1] =	vst.idx.msk $0xffff, v8  }
0x41: {  	s17 =	sshra.s32 s19, $0x2;
	s19 =	sadd.s32 $0x200, s19;
	[tilespmem:v0+s18+$0xFFFFFF90 ss:$0x1] =	vst.idx.msk $0xffff, v9;
	v7 =	vld.idx.msk [tilespmem:v1+s18+$0x20 ss:$0x1], $0xffff  }
0x42: {  	_ =	sdelay $0x3  }
0x43: {  	[tilespmem:v0+s18+$0xFFFFFFA0 ss:$0x1] =	vst.idx.msk $0xffff, v6  }
0x44: {  	v56 =	vld.idx.msk [tilespmem:v1+s17+$0x30 ss:$0x1], $0xffff;
	[tilespmem:v0+s18+$0xFFFFFFB0 ss:$0x1] =	vst.idx.msk $0xffff, v4  }
0x45: {  	v57 =	vld.idx.msk [tilespmem:v1+s17+$0xFFFFFFC0 ss:$0x1], $0xffff;
	[tilespmem:v0+s18+$0xFFFFFFC0 ss:$0x1] =	vst.idx.msk $0xffff, v2  }
0x46: {  	v58 =	vld.idx.msk [tilespmem:v1+s17+$0xFFFFFFD0 ss:$0x1], $0xffff;
	[tilespmem:v0+s18+$0xFFFFFFD0 ss:$0x1] =	vst.idx.msk $0xffff, v3  }
0x47: {  	v59 =	vld.idx.msk [tilespmem:v1+s17+$0xFFFFFFE0 ss:$0x1], $0xffff;
	[tilespmem:v0+s18+$0xFFFFFFE0 ss:$0x1] =	vst.idx.msk $0xffff, v5  }
0x48: {  	v60 =	vld.idx.msk [tilespmem:v1+s17+$0xFFFFFFF0 ss:$0x1], $0xffff;
	s26 =	sshll.u32 s15, $0x9;
	[tilespmem:v0+s18+$0xFFFFFFF0 ss:$0x1] =	vst.idx.msk $0xffff, v7  }
0x49: {  	s19 =	sshll.u32 s12, $0x3;
	v61 =	vld.idx.msk [tilespmem:v1+s17+$0x0 ss:$0x1], $0xffff;
	s27 =	sshll.u32 s15, $0x7;
	s29 =	sand.u32 $0x78, s12;
	[tilespmem:v0+s17+$0x0 ss:$0x1] =	vst.idx.msk $0xffff, v56  }
0x4a: {  	v62 =	vld.idx.msk [tilespmem:v1+s17+$0x10 ss:$0x1], $0xffff;
	s13 =	smul.u32 $0xC800, s13;
	s14 =	sshll.u32 s14, $0xB;
	s30 =	sand.u32 $0x7, s12;
	[tilespmem:v0+s17+$0xFFFFFF90 ss:$0x1] =	vst.idx.msk $0xffff, v57  }
0x4b: {  	v63 =	vld.idx.msk [tilespmem:v1+s17+$0x20 ss:$0x1], $0xffff;
	s19 =	sand.u32 $0x3C00, s19;
	s28 =	sand.u32 $0x200, s27;
	s18 =	sand.u32 $0x3000, s26;
	[tilespmem:v0+s17+$0xFFFFFFA0 ss:$0x1] =	vst.idx.msk $0xffff, v58  }
0x4c: {  	s15 =	sand.u32 $0x180, s27;
	s14 =	sadd.s32 s2, s14;
	s18 =	sadd.s32 s18, s19;
	[tilespmem:v0+s17+$0xFFFFFFB0 ss:$0x1] =	vst.idx.msk $0xffff, v59  }
.Ltmp4:
0x4d: {  	s15 =	sor.u32 s15, s29;
	[tilespmem:v0+s17+$0xFFFFFFC0 ss:$0x1] =	vst.idx.msk $0xffff, v60;
	s18 =	sor.u32 s28, s18;
	(pc) =	sbr.rel .LBB1_5-.Ltmp4, $4  }
0x4e: {  	s13 =	sadd.s32 s13, s14;
	s15 =	sshrl.u32 s15, $0x3;
	[tilespmem:v0+s17+$0xFFFFFFD0 ss:$0x1] =	vst.idx.msk $0xffff, v61;
	s18 =	sshrl.u32 s18, $0x3  }
0x4f: {  	s12 =	sshll.u32 s30, $0x12;
	s13 =	sadd.s32 s15, s13;
	[tilespmem:v0+s17+$0xFFFFFFE0 ss:$0x1] =	vst.idx.msk $0xffff, v62;
	s31 =	sand.u32 $0x7C0, s18  }
0x50: {  	s12 =	sor.u32 $0x80, s12;
	[tilespmem:v0+s17+$0xFFFFFFF0 ss:$0x1] =	vst.idx.msk $0xffff, v63;
	s13 =	sadd.s32 s31, s13  }
0x51: {  	[hbm4b:s13+s12] =	stream.strided.scatter [tilespmem:s16], [sflag:$0x2], $0x4000, s6, s12, $0x38;
	[tilespmem:$0x10000] =	vst v63  }
.LBB1_6:
0x52: {  	_ =	sfence.sel $0x180000  }
0x53: {  	s2 =	simm.s32 $0x1;
	[bflag:$0x0] =	sbarrier.arrive $0xFFFF  }
0x54: {  	s31 =	simm.s32 $0x2;
	[sflag:s2] =	ssyncpa.u1 $0x1  }
0x55: {  	[sflag:s31] =	ssyncpa.u1 $0x1  }
0x56: {  	p0 =	sne.s32 s1, $0x0;
	_ =	strace $0x9000004A  }
0x57: {  	s0 =	sadd.s32 @!p0 $0x100000, s0;
	[bflag:$0x2] =	sbarrier.arrive $0xFFFF  }
0x58: {  	[sflag:s0] =	ssyncadd.tile.s32 @!p0 $0x1;
	_ =	shalt  }
.Lfunc_end1:
_tile_overlayer_lowered:
.L_overlay_start_2:
0x59: {  	(tag) =	ssettag $0x2  }
0x5a: {  	s0 =	rddreg [dreg:$0x0];
	s2 =	stileid.u32  }
0x5b: {  	s1 =	rddreg [dreg:$0x1];
	p0 =	sne.s32 s2, $0x0  }
0x5c: {  	s3 =	rddreg [dreg:$0x2];
	[bflag:$0x3] =	sbarrier.arrive $0xFFFF;
	s2 =	simm.s32 @!p0 $0x1C01  }
0x5d: {  	[timem:s3], [sflag:s2] =	dma.local @!p0 [hbm:s0], s1  }
0x5e: {  	s0 =	simm.s32 @!p0 $0x1  }
0x5f: {  	_ =	swait.ge @!p0 [sflag:s0], s1  }
0x60: {  	s1 =	ssub.s32 @!p0 $0x0, s1;
	[sflag:s0] =	ssyncset.done @!p0 $0x0  }
0x61: {  	[sflag:s0] =	ssyncadd.s32 @!p0 s1  }
0x62: {  	[bflag:$0x3] =	sbarrier.arrive $0xFFFF  }
0x63: {  	_ =	shalt  }

</sc_bundles>
